<compile_context>
chip_gen: v7x
topology: tpu7x:2x2x1
jax: 0.10.2.dev20260603
libtpu: 0.0.44.dev20260713+nightly
codegen_flags: <defaults>
</compile_context>

<pallas_src>
import functools

import jax
import jax.numpy as jnp
from jax import lax
from jax.experimental import pallas as pl
from jax.experimental.pallas import tpu as pltpu
from jax.experimental.pallas import tpu_sc as plsc

SIZE = 100000
HALF = 50000
NEV = 3200000
POOLW = 10
NBUCK = 5000
PSTR = 5120
ROWW = 128
ACC_ROWS = 512
ACC_N = ACC_ROWS * ROWW
NW = 32
EW = NEV // NW
CHUNK = 4000
NCH = EW // CHUNK
GROUPS = CHUNK // 16
NSLOT = 3
NPRIME = 2
RPT = ACC_ROWS // 16
IDX_MINOR = 128
IDX_TILES = ACC_ROWS // IDX_MINOR


def _sc_partials(index, rate, starttime, endtime, tvec):
    mesh = plsc.VectorSubcoreMesh(core_axis_name="c", subcore_axis_name="s")

    @functools.partial(
        pl.kernel,
        mesh=mesh,
        out_type=jax.ShapeDtypeStruct((2, ACC_ROWS, ROWW), jnp.float32),
        scratch_types=(
            [pltpu.VMEM((CHUNK,), jnp.int32)] * NSLOT
            + [pltpu.VMEM((CHUNK,), jnp.float32)] * (3 * NSLOT)
            + [
                pltpu.VMEM((ACC_ROWS, ROWW), jnp.float32),
                pltpu.VMEM((16,), jnp.float32),
                pltpu.VMEM((IDX_TILES, IDX_MINOR), jnp.int32),
                pltpu.VMEM((RPT, ROWW), jnp.float32),
                pltpu.VMEM_SHARED((ACC_ROWS, ROWW), jnp.float32),
            ]
            + [pltpu.SemaphoreType.DMA] * (4 * NSLOT)
        ),
        compiler_params=pltpu.CompilerParams(needs_layout_passes=False),
    )
    def body(idx_h, rate_h, st_h, en_h, tv_h, out_h, *scratch):
        ib = scratch[0:NSLOT]
        rb = scratch[NSLOT:2 * NSLOT]
        sb = scratch[2 * NSLOT:3 * NSLOT]
        eb = scratch[3 * NSLOT:4 * NSLOT]
        acc, tb, rows_i, wb, shacc = scratch[4 * NSLOT:4 * NSLOT + 5]
        sems = scratch[4 * NSLOT + 5:]
        cid = lax.axis_index("c")
        sid = lax.axis_index("s")
        wid = cid * 16 + sid
        base = wid * EW

        def copies(slot, g):
            off = base + g * CHUNK
            return [
                pltpu.make_async_copy(idx_h.at[pl.ds(off, CHUNK)],
                                      ib[slot], sems[slot * 4 + 0]),
                pltpu.make_async_copy(rate_h.at[pl.ds(off, CHUNK)],
                                      rb[slot], sems[slot * 4 + 1]),
                pltpu.make_async_copy(st_h.at[pl.ds(off, CHUNK)],
                                      sb[slot], sems[slot * 4 + 2]),
                pltpu.make_async_copy(en_h.at[pl.ds(off, CHUNK)],
                                      eb[slot], sems[slot * 4 + 3]),
            ]

        def start(slot, g):
            for c in copies(slot, g):
                c.start()

        def wait(slot, g):
            for c in copies(slot, g):
                c.wait()

        for p in range(NPRIME):
            start(p, p)
        pltpu.sync_copy(tv_h, tb)
        tv = tb[...]

        zero16 = jnp.zeros((16,), jnp.float32)

        @plsc.parallel_loop(0, ACC_N // 16, unroll=8)
        def zacc(i):
            acc[i >> 3, pl.ds((i & 7) * 16, 16)] = zero16

        for k in range(IDX_TILES):
            for j in range(IDX_MINOR // 16):
                rows_i[k, pl.ds(j * 16, 16)] = (
                    lax.iota(jnp.int32, 16) + (k * IDX_MINOR + j * 16))

        @plsc.parallel_loop(0, RPT * 8, unroll=8)
        def zwb(i):
            wb[i >> 3, pl.ds((i & 7) * 16, 16)] = zero16

        pltpu.sync_copy(wb, shacc.at[pl.ds(sid * RPT, RPT)])

        def chunk_compute(b):
            @plsc.parallel_loop(0, GROUPS, unroll=5)
            def grp(i):
                idx = ib[b][pl.ds(i * 16, 16)]
                rt = rb[b][pl.ds(i * 16, 16)]
                st = sb[b][pl.ds(i * 16, 16)]
                en = eb[b][pl.ds(i * 16, 16)]
                m = (st <= tv) & (tv < en)
                hm = idx < HALF
                n = jnp.where(hm, idx, idx - HALF)
                q = ((n.astype(jnp.uint32) * jnp.uint32(52429))
                     >> jnp.uint32(19)).astype(jnp.int32)
                off2 = n * PSTR + PSTR - q * (10 * PSTR)
                pos = q + jnp.where(hm, 0, off2)
                plsc.addupdate_scatter(acc, [pos >> 7, pos & 127], rt,
                                       mask=m)

        def outer(it, carry):
            g0 = it * NSLOT
            for b in range(NSLOT):
                g = g0 + b
                wait(b, g)

                @pl.when(g + NPRIME < NCH)
                def _():
                    start((b + NPRIME) % NSLOT, g + NPRIME)

                chunk_compute(b)
            return carry

        lax.fori_loop(0, (NCH - 1) // NSLOT, outer, 0)
        wait((NCH - 1) % NSLOT, NCH - 1)
        chunk_compute((NCH - 1) % NSLOT)

        plsc.subcore_barrier()
        for k in range(IDX_TILES):
            pltpu.sync_copy(acc.at[pl.ds(k * IDX_MINOR, IDX_MINOR)],
                            shacc.at[rows_i.at[k]], add=True)
        plsc.subcore_barrier()
        pltpu.sync_copy(shacc.at[pl.ds(sid * RPT, RPT)], wb)
        pltpu.sync_copy(wb, out_h.at[cid, pl.ds(sid * RPT, RPT)])

    return body(index, rate, starttime, endtime, tvec)


def _tc_combine(partials):
    PR = PSTR // ROWW

    def body(p_ref, out_ref):
        a = p_ref[0] + p_ref[1]
        s = a[0:PR, :].reshape(-1)
        m = a[PR:2 * PR, :]
        for w in range(1, POOLW):
            m = jnp.maximum(m, a[PR * (w + 1):PR * (w + 2), :])
        out_ref[pl.ds(0, NBUCK)] = s[:NBUCK]
        out_ref[pl.ds(NBUCK, NBUCK)] = m.reshape(-1)[:NBUCK]

    return pl.pallas_call(
        body,
        out_shape=jax.ShapeDtypeStruct((2 * NBUCK,), jnp.float32),
    )(partials)


@jax.jit
def kernel(index, rate, starttime, endtime, t):
    tvec = jnp.full((16,), t, jnp.float32)
    parts = _sc_partials(index.astype(jnp.int32), rate, starttime,
                         endtime, tvec)
    return _tc_combine(parts)

# --- scband reference (transcript-rebuilt; emitter-appended) ---
"""Pipeline reference for scband-aggregate-representation-7198365188825 (READ-ONLY COPY).

The authoritative reference and input builder live on the scoring server;
editing this copy changes nothing except your own understanding.
"""

import jax, jax.numpy as jnp
import numpy as np

SIZE = 100000
N_EVENTS = 3200000
# aggregator specs: (kind, start, end, pool_window)
AGG_SPECS = [("sumpool", 0, 50000, 10), ("maxpool", 50000, 100000, 10)]


def setup_inputs(seed: int = 0) -> dict:
    key = jax.random.key(seed)
    k1, k2, k3, k4 = jax.random.split(key, 4)
    index = jax.random.randint(k1, (N_EVENTS,), 0, SIZE)
    rate = jax.random.uniform(k2, (N_EVENTS,), dtype=jnp.float32)
    starttime = jax.random.uniform(k3, (N_EVENTS,), dtype=jnp.float32)
    # endtime >= starttime so intervals are well-formed; ~half of events active at t=0.5
    endtime = starttime + jax.random.uniform(k4, (N_EVENTS,), dtype=jnp.float32)
    t = jnp.float32(0.5)
    return {"index": index, "rate": rate, "starttime": starttime, "endtime": endtime, "t": t}


def _apply_aggregator(kind, p0, p1, w, x):
    seg = x[p0:p1].reshape(-1, w)
    if kind == "sumpool":
        return seg.sum(axis=1)
    elif kind == "maxpool":
        return seg.max(axis=1)
    raise ValueError(kind)


def reference(index, rate, starttime, endtime, t):
    # InpatientInput.__call__(t): mask events active at time t, scatter-add rates.
    # x[mask] followed by zeros.at[index[mask]].add(rate[mask]) is mathematically
    # identical to scattering all events with masked rates (inactive events add 0).
    mask = ((starttime <= t) & (t < endtime)).astype(rate.dtype)
    adm_input = jnp.zeros(SIZE, dtype=rate.dtype).at[index].add(rate * mask)
    # AggregateRepresentation: concatenate each aggregator's output over its partition
    outs = [_apply_aggregator(kind, p0, p1, w, adm_input) for (kind, p0, p1, w) in AGG_SPECS]
    return jnp.concatenate(outs)

if __name__ == "__main__":
    import jax
    _d = setup_inputs()
    print(jax.jit(kernel)(*tuple(_d.values())))

</pallas_src>

<mosaic_0001>
#map = affine_map<(d0, d1) -> (0)>
#map1 = affine_map<(d0, d1) -> (0, 0, 0)>
module attributes {stable_mosaic.version = 14 : i64} {
  func.func @body(%arg0: i32, %arg1: i32, %arg2: memref<3200000xi32, #tpu.memory_space<hbm>>, %arg3: memref<3200000xf32, #tpu.memory_space<hbm>>, %arg4: memref<3200000xf32, #tpu.memory_space<hbm>>, %arg5: memref<3200000xf32, #tpu.memory_space<hbm>>, %arg6: memref<16xf32, #tpu.memory_space<hbm>>, %arg7: memref<2x512x128xf32, #tpu.memory_space<hbm>>, %arg8: memref<4000xi32, #tpu.memory_space<vmem>>, %arg9: memref<4000xi32, #tpu.memory_space<vmem>>, %arg10: memref<4000xi32, #tpu.memory_space<vmem>>, %arg11: memref<4000xf32, #tpu.memory_space<vmem>>, %arg12: memref<4000xf32, #tpu.memory_space<vmem>>, %arg13: memref<4000xf32, #tpu.memory_space<vmem>>, %arg14: memref<4000xf32, #tpu.memory_space<vmem>>, %arg15: memref<4000xf32, #tpu.memory_space<vmem>>, %arg16: memref<4000xf32, #tpu.memory_space<vmem>>, %arg17: memref<4000xf32, #tpu.memory_space<vmem>>, %arg18: memref<4000xf32, #tpu.memory_space<vmem>>, %arg19: memref<4000xf32, #tpu.memory_space<vmem>>, %arg20: memref<512x128xf32, #tpu.memory_space<vmem>>, %arg21: memref<16xf32, #tpu.memory_space<vmem>>, %arg22: memref<4x128xi32, #tpu.memory_space<vmem>>, %arg23: memref<32x128xf32, #tpu.memory_space<vmem>>, %arg24: memref<512x128xf32, #tpu.memory_space<vmem_shared>>, %arg25: memref<!tpu.dma_semaphore, #tpu.memory_space<semaphore_mem>>, %arg26: memref<!tpu.dma_semaphore, #tpu.memory_space<semaphore_mem>>, %arg27: memref<!tpu.dma_semaphore, #tpu.memory_space<semaphore_mem>>, %arg28: memref<!tpu.dma_semaphore, #tpu.memory_space<semaphore_mem>>, %arg29: memref<!tpu.dma_semaphore, #tpu.memory_space<semaphore_mem>>, %arg30: memref<!tpu.dma_semaphore, #tpu.memory_space<semaphore_mem>>, %arg31: memref<!tpu.dma_semaphore, #tpu.memory_space<semaphore_mem>>, %arg32: memref<!tpu.dma_semaphore, #tpu.memory_space<semaphore_mem>>, %arg33: memref<!tpu.dma_semaphore, #tpu.memory_space<semaphore_mem>>, %arg34: memref<!tpu.dma_semaphore, #tpu.memory_space<semaphore_mem>>, %arg35: memref<!tpu.dma_semaphore, #tpu.memory_space<semaphore_mem>>, %arg36: memref<!tpu.dma_semaphore, #tpu.memory_space<semaphore_mem>>) attributes {dimension_semantics = [#tpu.dimension_semantics<core_parallel>, #tpu.dimension_semantics<subcore_parallel>], iteration_bounds = array<i64: 2, 16>, scalar_prefetch = 0 : i64, scratch_operands = 29 : i64, tpu.core_type = #tpu.core_type<sc_vector_subcore>, window_params = [{transform_indices = #map}, {transform_indices = #map}, {transform_indices = #map}, {transform_indices = #map}, {transform_indices = #map}, {transform_indices = #map1}]} {
    %mul3A = arith.constant 16 : i32
    %mul3A_0 = arith.muli %arg0, %mul3A : i32
    %add3A = arith.addi %mul3A_0, %arg1 : i32
    %mul3A_1 = arith.constant 100000 : i32
    %mul3A_2 = arith.muli %add3A, %mul3A_1 : i32
    %add3A_3 = arith.constant 0 : i32
    %add3A_4 = arith.addi %mul3A_2, %add3A_3 : i32
    %dma_start3A = tpu.memref_slice %arg2[%add3A_4] : memref<3200000xi32, #tpu.memory_space<hbm>> -> memref<4000xi32, #tpu.memory_space<hbm>>
    %dma_start3A_5 = tpu.memref_slice %arg2[%add3A_4] : memref<3200000xi32, #tpu.memory_space<hbm>> -> memref<4000xi32, #tpu.memory_space<hbm>>
    tpu.enqueue_dma source(%dma_start3A_5 : memref<4000xi32, #tpu.memory_space<hbm>>) target(%arg8 : memref<4000xi32, #tpu.memory_space<vmem>>) target_semaphore(%arg25 : memref<!tpu.dma_semaphore, #tpu.memory_space<semaphore_mem>>)
    %dma_start3A_6 = tpu.memref_slice %arg3[%add3A_4] : memref<3200000xf32, #tpu.memory_space<hbm>> -> memref<4000xf32, #tpu.memory_space<hbm>>
    %dma_start3A_7 = tpu.memref_slice %arg3[%add3A_4] : memref<3200000xf32, #tpu.memory_space<hbm>> -> memref<4000xf32, #tpu.memory_space<hbm>>
    tpu.enqueue_dma source(%dma_start3A_7 : memref<4000xf32, #tpu.memory_space<hbm>>) target(%arg11 : memref<4000xf32, #tpu.memory_space<vmem>>) target_semaphore(%arg26 : memref<!tpu.dma_semaphore, #tpu.memory_space<semaphore_mem>>)
    %dma_start3A_8 = tpu.memref_slice %arg4[%add3A_4] : memref<3200000xf32, #tpu.memory_space<hbm>> -> memref<4000xf32, #tpu.memory_space<hbm>>
    %dma_start3A_9 = tpu.memref_slice %arg4[%add3A_4] : memref<3200000xf32, #tpu.memory_space<hbm>> -> memref<4000xf32, #tpu.memory_space<hbm>>
    tpu.enqueue_dma source(%dma_start3A_9 : memref<4000xf32, #tpu.memory_space<hbm>>) target(%arg14 : memref<4000xf32, #tpu.memory_space<vmem>>) target_semaphore(%arg27 : memref<!tpu.dma_semaphore, #tpu.memory_space<semaphore_mem>>)
    %dma_start3A_10 = tpu.memref_slice %arg5[%add3A_4] : memref<3200000xf32, #tpu.memory_space<hbm>> -> memref<4000xf32, #tpu.memory_space<hbm>>
    %dma_start3A_11 = tpu.memref_slice %arg5[%add3A_4] : memref<3200000xf32, #tpu.memory_space<hbm>> -> memref<4000xf32, #tpu.memory_space<hbm>>
    tpu.enqueue_dma source(%dma_start3A_11 : memref<4000xf32, #tpu.memory_space<hbm>>) target(%arg17 : memref<4000xf32, #tpu.memory_space<vmem>>) target_semaphore(%arg28 : memref<!tpu.dma_semaphore, #tpu.memory_space<semaphore_mem>>)
    %add3A_12 = arith.constant 4000 : i32
    %add3A_13 = arith.addi %mul3A_2, %add3A_12 : i32
    %dma_start3A_14 = tpu.memref_slice %arg2[%add3A_13] : memref<3200000xi32, #tpu.memory_space<hbm>> -> memref<4000xi32, #tpu.memory_space<hbm>>
    %dma_start3A_15 = tpu.memref_slice %arg2[%add3A_13] : memref<3200000xi32, #tpu.memory_space<hbm>> -> memref<4000xi32, #tpu.memory_space<hbm>>
    tpu.enqueue_dma source(%dma_start3A_15 : memref<4000xi32, #tpu.memory_space<hbm>>) target(%arg9 : memref<4000xi32, #tpu.memory_space<vmem>>) target_semaphore(%arg29 : memref<!tpu.dma_semaphore, #tpu.memory_space<semaphore_mem>>)
    %dma_start3A_16 = tpu.memref_slice %arg3[%add3A_13] : memref<3200000xf32, #tpu.memory_space<hbm>> -> memref<4000xf32, #tpu.memory_space<hbm>>
    %dma_start3A_17 = tpu.memref_slice %arg3[%add3A_13] : memref<3200000xf32, #tpu.memory_space<hbm>> -> memref<4000xf32, #tpu.memory_space<hbm>>
    tpu.enqueue_dma source(%dma_start3A_17 : memref<4000xf32, #tpu.memory_space<hbm>>) target(%arg12 : memref<4000xf32, #tpu.memory_space<vmem>>) target_semaphore(%arg30 : memref<!tpu.dma_semaphore, #tpu.memory_space<semaphore_mem>>)
    %dma_start3A_18 = tpu.memref_slice %arg4[%add3A_13] : memref<3200000xf32, #tpu.memory_space<hbm>> -> memref<4000xf32, #tpu.memory_space<hbm>>
    %dma_start3A_19 = tpu.memref_slice %arg4[%add3A_13] : memref<3200000xf32, #tpu.memory_space<hbm>> -> memref<4000xf32, #tpu.memory_space<hbm>>
    tpu.enqueue_dma source(%dma_start3A_19 : memref<4000xf32, #tpu.memory_space<hbm>>) target(%arg15 : memref<4000xf32, #tpu.memory_space<vmem>>) target_semaphore(%arg31 : memref<!tpu.dma_semaphore, #tpu.memory_space<semaphore_mem>>)
    %dma_start3A_20 = tpu.memref_slice %arg5[%add3A_13] : memref<3200000xf32, #tpu.memory_space<hbm>> -> memref<4000xf32, #tpu.memory_space<hbm>>
    %dma_start3A_21 = tpu.memref_slice %arg5[%add3A_13] : memref<3200000xf32, #tpu.memory_space<hbm>> -> memref<4000xf32, #tpu.memory_space<hbm>>
    tpu.enqueue_dma source(%dma_start3A_21 : memref<4000xf32, #tpu.memory_space<hbm>>) target(%arg18 : memref<4000xf32, #tpu.memory_space<vmem>>) target_semaphore(%arg32 : memref<!tpu.dma_semaphore, #tpu.memory_space<semaphore_mem>>)
    "tpu.region"() ({
      %run_scoped3A_310 = tpu.sem_alloc : memref<!tpu.dma_semaphore, #tpu.memory_space<semaphore_mem>>
      tpu.enqueue_dma source(%arg6 : memref<16xf32, #tpu.memory_space<hbm>>) target(%arg21 : memref<16xf32, #tpu.memory_space<vmem>>) target_semaphore(%run_scoped3A_310 : memref<!tpu.dma_semaphore, #tpu.memory_space<semaphore_mem>>)
      tpu.wait_dma2 semaphore(%run_scoped3A_310 : memref<!tpu.dma_semaphore, #tpu.memory_space<semaphore_mem>>) src(%arg6 : memref<16xf32, #tpu.memory_space<hbm>>) dst(%arg21 : memref<16xf32, #tpu.memory_space<vmem>>)
      tpu.yield
    }) : () -> ()
    %get3A = arith.constant 0 : index
    %get3A_22 = tpu.vector_load %arg21[%get3A] {strides = array<i32>} : memref<16xf32, #tpu.memory_space<vmem>>, vector<16xf32>,
    %broadcast_in_dim3A = arith.constant 0.000000e+00 : f32
    %broadcast_in_dim3A_23 = vector.broadcast %broadcast_in_dim3A : f32 to vector<16xf32>
    %parallel_loop3A = arith.constant 0 : i32
    %parallel_loop3A_24 = arith.constant 4096 : i32
    %parallel_loop3A_25 = arith.constant 1 : i32
    scf.for %parallel_loop3A_310 = %parallel_loop3A to %parallel_loop3A_24 step %parallel_loop3A_25  : i32 {
      %parallel_loop3A_311 = arith.constant 3 : i32
      %parallel_loop3A_312 = arith.shrsi %parallel_loop3A_310, %parallel_loop3A_311 : i32
      %parallel_loop3A_313 = arith.constant 7 : i32
      %parallel_loop3A_314 = arith.andi %parallel_loop3A_310, %parallel_loop3A_313 : i32
      %parallel_loop3A_315 = arith.constant 16 : i32
      %parallel_loop3A_316 = arith.muli %parallel_loop3A_314, %parallel_loop3A_315 : i32
      %parallel_loop3A_317 = arith.index_cast %parallel_loop3A_312 : i32 to index
      %parallel_loop3A_318 = arith.index_cast %parallel_loop3A_316 : i32 to index
      %parallel_loop3A_319 = tpu.vector_load %arg20[%parallel_loop3A_317, %parallel_loop3A_318] {strides = array<i32>} : memref<512x128xf32, #tpu.memory_space<vmem>>, vector<16xf32>,
      tpu.vector_store %arg20[%parallel_loop3A_317, %parallel_loop3A_318], %broadcast_in_dim3A_23 {strides = array<i32>} : memref<512x128xf32, #tpu.memory_space<vmem>>, vector<16xf32>,
    } {sc.loop_unroll_factor = 8 : i64, sc.parallel_access}
    %iota3A = tpu.iota {dimensions = array<i32: 0>} : vector<16xi32>
    %add3A_26 = arith.constant 0 : i32
    %add3A_27 = vector.broadcast %add3A_26 : i32 to vector<16xi32>
    %add3A_28 = arith.addi %iota3A, %add3A_27 : vector<16xi32>
    %swap3A = arith.constant 0 : i32
    %swap3A_29 = arith.index_cast %swap3A : i32 to index
    %swap3A_30 = arith.constant 0 : index
    %swap3A_31 = tpu.vector_load %arg22[%swap3A_29, %swap3A_30] {strides = array<i32>} : memref<4x128xi32, #tpu.memory_space<vmem>>, vector<16xi32>,
    tpu.vector_store %arg22[%swap3A_29, %swap3A_30], %add3A_28 {strides = array<i32>} : memref<4x128xi32, #tpu.memory_space<vmem>>, vector<16xi32>,
    %iota3A_32 = tpu.iota {dimensions = array<i32: 0>} : vector<16xi32>
    %add3A_33 = arith.constant 16 : i32
    %add3A_34 = vector.broadcast %add3A_33 : i32 to vector<16xi32>
    %add3A_35 = arith.addi %iota3A_32, %add3A_34 : vector<16xi32>
    %swap3A_36 = arith.constant 0 : i32
    %swap3A_37 = arith.index_cast %swap3A_36 : i32 to index
    %swap3A_38 = arith.constant 16 : index
    %swap3A_39 = tpu.vector_load %arg22[%swap3A_37, %swap3A_38] {strides = array<i32>} : memref<4x128xi32, #tpu.memory_space<vmem>>, vector<16xi32>,
    tpu.vector_store %arg22[%swap3A_37, %swap3A_38], %add3A_35 {strides = array<i32>} : memref<4x128xi32, #tpu.memory_space<vmem>>, vector<16xi32>,
    %iota3A_40 = tpu.iota {dimensions = array<i32: 0>} : vector<16xi32>
    %add3A_41 = arith.constant 32 : i32
    %add3A_42 = vector.broadcast %add3A_41 : i32 to vector<16xi32>
    %add3A_43 = arith.addi %iota3A_40, %add3A_42 : vector<16xi32>
    %swap3A_44 = arith.constant 0 : i32
    %swap3A_45 = arith.index_cast %swap3A_44 : i32 to index
    %swap3A_46 = arith.constant 32 : index
    %swap3A_47 = tpu.vector_load %arg22[%swap3A_45, %swap3A_46] {strides = array<i32>} : memref<4x128xi32, #tpu.memory_space<vmem>>, vector<16xi32>,
    tpu.vector_store %arg22[%swap3A_45, %swap3A_46], %add3A_43 {strides = array<i32>} : memref<4x128xi32, #tpu.memory_space<vmem>>, vector<16xi32>,
    %iota3A_48 = tpu.iota {dimensions = array<i32: 0>} : vector<16xi32>
    %add3A_49 = arith.constant 48 : i32
    %add3A_50 = vector.broadcast %add3A_49 : i32 to vector<16xi32>
    %add3A_51 = arith.addi %iota3A_48, %add3A_50 : vector<16xi32>
    %swap3A_52 = arith.constant 0 : i32
    %swap3A_53 = arith.index_cast %swap3A_52 : i32 to index
    %swap3A_54 = arith.constant 48 : index
    %swap3A_55 = tpu.vector_load %arg22[%swap3A_53, %swap3A_54] {strides = array<i32>} : memref<4x128xi32, #tpu.memory_space<vmem>>, vector<16xi32>,
    tpu.vector_store %arg22[%swap3A_53, %swap3A_54], %add3A_51 {strides = array<i32>} : memref<4x128xi32, #tpu.memory_space<vmem>>, vector<16xi32>,
    %iota3A_56 = tpu.iota {dimensions = array<i32: 0>} : vector<16xi32>
    %add3A_57 = arith.constant 64 : i32
    %add3A_58 = vector.broadcast %add3A_57 : i32 to vector<16xi32>
    %add3A_59 = arith.addi %iota3A_56, %add3A_58 : vector<16xi32>
    %swap3A_60 = arith.constant 0 : i32
    %swap3A_61 = arith.index_cast %swap3A_60 : i32 to index
    %swap3A_62 = arith.constant 64 : index
    %swap3A_63 = tpu.vector_load %arg22[%swap3A_61, %swap3A_62] {strides = array<i32>} : memref<4x128xi32, #tpu.memory_space<vmem>>, vector<16xi32>,
    tpu.vector_store %arg22[%swap3A_61, %swap3A_62], %add3A_59 {strides = array<i32>} : memref<4x128xi32, #tpu.memory_space<vmem>>, vector<16xi32>,
    %iota3A_64 = tpu.iota {dimensions = array<i32: 0>} : vector<16xi32>
    %add3A_65 = arith.constant 80 : i32
    %add3A_66 = vector.broadcast %add3A_65 : i32 to vector<16xi32>
    %add3A_67 = arith.addi %iota3A_64, %add3A_66 : vector<16xi32>
    %swap3A_68 = arith.constant 0 : i32
    %swap3A_69 = arith.index_cast %swap3A_68 : i32 to index
    %swap3A_70 = arith.constant 80 : index
    %swap3A_71 = tpu.vector_load %arg22[%swap3A_69, %swap3A_70] {strides = array<i32>} : memref<4x128xi32, #tpu.memory_space<vmem>>, vector<16xi32>,
    tpu.vector_store %arg22[%swap3A_69, %swap3A_70], %add3A_67 {strides = array<i32>} : memref<4x128xi32, #tpu.memory_space<vmem>>, vector<16xi32>,
    %iota3A_72 = tpu.iota {dimensions = array<i32: 0>} : vector<16xi32>
    %add3A_73 = arith.constant 96 : i32
    %add3A_74 = vector.broadcast %add3A_73 : i32 to vector<16xi32>
    %add3A_75 = arith.addi %iota3A_72, %add3A_74 : vector<16xi32>
    %swap3A_76 = arith.constant 0 : i32
    %swap3A_77 = arith.index_cast %swap3A_76 : i32 to index
    %swap3A_78 = arith.constant 96 : index
    %swap3A_79 = tpu.vector_load %arg22[%swap3A_77, %swap3A_78] {strides = array<i32>} : memref<4x128xi32, #tpu.memory_space<vmem>>, vector<16xi32>,
    tpu.vector_store %arg22[%swap3A_77, %swap3A_78], %add3A_75 {strides = array<i32>} : memref<4x128xi32, #tpu.memory_space<vmem>>, vector<16xi32>,
    %iota3A_80 = tpu.iota {dimensions = array<i32: 0>} : vector<16xi32>
    %add3A_81 = arith.constant 112 : i32
    %add3A_82 = vector.broadcast %add3A_81 : i32 to vector<16xi32>
    %add3A_83 = arith.addi %iota3A_80, %add3A_82 : vector<16xi32>
    %swap3A_84 = arith.constant 0 : i32
    %swap3A_85 = arith.index_cast %swap3A_84 : i32 to index
    %swap3A_86 = arith.constant 112 : index
    %swap3A_87 = tpu.vector_load %arg22[%swap3A_85, %swap3A_86] {strides = array<i32>} : memref<4x128xi32, #tpu.memory_space<vmem>>, vector<16xi32>,
    tpu.vector_store %arg22[%swap3A_85, %swap3A_86], %add3A_83 {strides = array<i32>} : memref<4x128xi32, #tpu.memory_space<vmem>>, vector<16xi32>,
    %iota3A_88 = tpu.iota {dimensions = array<i32: 0>} : vector<16xi32>
    %add3A_89 = arith.constant 128 : i32
    %add3A_90 = vector.broadcast %add3A_89 : i32 to vector<16xi32>
    %add3A_91 = arith.addi %iota3A_88, %add3A_90 : vector<16xi32>
    %swap3A_92 = arith.constant 1 : i32
    %swap3A_93 = arith.index_cast %swap3A_92 : i32 to index
    %swap3A_94 = arith.constant 0 : index
    %swap3A_95 = tpu.vector_load %arg22[%swap3A_93, %swap3A_94] {strides = array<i32>} : memref<4x128xi32, #tpu.memory_space<vmem>>, vector<16xi32>,
    tpu.vector_store %arg22[%swap3A_93, %swap3A_94], %add3A_91 {strides = array<i32>} : memref<4x128xi32, #tpu.memory_space<vmem>>, vector<16xi32>,
    %iota3A_96 = tpu.iota {dimensions = array<i32: 0>} : vector<16xi32>
    %add3A_97 = arith.constant 144 : i32
    %add3A_98 = vector.broadcast %add3A_97 : i32 to vector<16xi32>
    %add3A_99 = arith.addi %iota3A_96, %add3A_98 : vector<16xi32>
    %swap3A_100 = arith.constant 1 : i32
    %swap3A_101 = arith.index_cast %swap3A_100 : i32 to index
    %swap3A_102 = arith.constant 16 : index
    %swap3A_103 = tpu.vector_load %arg22[%swap3A_101, %swap3A_102] {strides = array<i32>} : memref<4x128xi32, #tpu.memory_space<vmem>>, vector<16xi32>,
    tpu.vector_store %arg22[%swap3A_101, %swap3A_102], %add3A_99 {strides = array<i32>} : memref<4x128xi32, #tpu.memory_space<vmem>>, vector<16xi32>,
    %iota3A_104 = tpu.iota {dimensions = array<i32: 0>} : vector<16xi32>
    %add3A_105 = arith.constant 160 : i32
    %add3A_106 = vector.broadcast %add3A_105 : i32 to vector<16xi32>
    %add3A_107 = arith.addi %iota3A_104, %add3A_106 : vector<16xi32>
    %swap3A_108 = arith.constant 1 : i32
    %swap3A_109 = arith.index_cast %swap3A_108 : i32 to index
    %swap3A_110 = arith.constant 32 : index
    %swap3A_111 = tpu.vector_load %arg22[%swap3A_109, %swap3A_110] {strides = array<i32>} : memref<4x128xi32, #tpu.memory_space<vmem>>, vector<16xi32>,
    tpu.vector_store %arg22[%swap3A_109, %swap3A_110], %add3A_107 {strides = array<i32>} : memref<4x128xi32, #tpu.memory_space<vmem>>, vector<16xi32>,
    %iota3A_112 = tpu.iota {dimensions = array<i32: 0>} : vector<16xi32>
    %add3A_113 = arith.constant 176 : i32
    %add3A_114 = vector.broadcast %add3A_113 : i32 to vector<16xi32>
    %add3A_115 = arith.addi %iota3A_112, %add3A_114 : vector<16xi32>
    %swap3A_116 = arith.constant 1 : i32
    %swap3A_117 = arith.index_cast %swap3A_116 : i32 to index
    %swap3A_118 = arith.constant 48 : index
    %swap3A_119 = tpu.vector_load %arg22[%swap3A_117, %swap3A_118] {strides = array<i32>} : memref<4x128xi32, #tpu.memory_space<vmem>>, vector<16xi32>,
    tpu.vector_store %arg22[%swap3A_117, %swap3A_118], %add3A_115 {strides = array<i32>} : memref<4x128xi32, #tpu.memory_space<vmem>>, vector<16xi32>,
    %iota3A_120 = tpu.iota {dimensions = array<i32: 0>} : vector<16xi32>
    %add3A_121 = arith.constant 192 : i32
    %add3A_122 = vector.broadcast %add3A_121 : i32 to vector<16xi32>
    %add3A_123 = arith.addi %iota3A_120, %add3A_122 : vector<16xi32>
    %swap3A_124 = arith.constant 1 : i32
    %swap3A_125 = arith.index_cast %swap3A_124 : i32 to index
    %swap3A_126 = arith.constant 64 : index
    %swap3A_127 = tpu.vector_load %arg22[%swap3A_125, %swap3A_126] {strides = array<i32>} : memref<4x128xi32, #tpu.memory_space<vmem>>, vector<16xi32>,
    tpu.vector_store %arg22[%swap3A_125, %swap3A_126], %add3A_123 {strides = array<i32>} : memref<4x128xi32, #tpu.memory_space<vmem>>, vector<16xi32>,
    %iota3A_128 = tpu.iota {dimensions = array<i32: 0>} : vector<16xi32>
    %add3A_129 = arith.constant 208 : i32
    %add3A_130 = vector.broadcast %add3A_129 : i32 to vector<16xi32>
    %add3A_131 = arith.addi %iota3A_128, %add3A_130 : vector<16xi32>
    %swap3A_132 = arith.constant 1 : i32
    %swap3A_133 = arith.index_cast %swap3A_132 : i32 to index
    %swap3A_134 = arith.constant 80 : index
    %swap3A_135 = tpu.vector_load %arg22[%swap3A_133, %swap3A_134] {strides = array<i32>} : memref<4x128xi32, #tpu.memory_space<vmem>>, vector<16xi32>,
    tpu.vector_store %arg22[%swap3A_133, %swap3A_134], %add3A_131 {strides = array<i32>} : memref<4x128xi32, #tpu.memory_space<vmem>>, vector<16xi32>,
    %iota3A_136 = tpu.iota {dimensions = array<i32: 0>} : vector<16xi32>
    %add3A_137 = arith.constant 224 : i32
    %add3A_138 = vector.broadcast %add3A_137 : i32 to vector<16xi32>
    %add3A_139 = arith.addi %iota3A_136, %add3A_138 : vector<16xi32>
    %swap3A_140 = arith.constant 1 : i32
    %swap3A_141 = arith.index_cast %swap3A_140 : i32 to index
    %swap3A_142 = arith.constant 96 : index
    %swap3A_143 = tpu.vector_load %arg22[%swap3A_141, %swap3A_142] {strides = array<i32>} : memref<4x128xi32, #tpu.memory_space<vmem>>, vector<16xi32>,
    tpu.vector_store %arg22[%swap3A_141, %swap3A_142], %add3A_139 {strides = array<i32>} : memref<4x128xi32, #tpu.memory_space<vmem>>, vector<16xi32>,
    %iota3A_144 = tpu.iota {dimensions = array<i32: 0>} : vector<16xi32>
    %add3A_145 = arith.constant 240 : i32
    %add3A_146 = vector.broadcast %add3A_145 : i32 to vector<16xi32>
    %add3A_147 = arith.addi %iota3A_144, %add3A_146 : vector<16xi32>
    %swap3A_148 = arith.constant 1 : i32
    %swap3A_149 = arith.index_cast %swap3A_148 : i32 to index
    %swap3A_150 = arith.constant 112 : index
    %swap3A_151 = tpu.vector_load %arg22[%swap3A_149, %swap3A_150] {strides = array<i32>} : memref<4x128xi32, #tpu.memory_space<vmem>>, vector<16xi32>,
    tpu.vector_store %arg22[%swap3A_149, %swap3A_150], %add3A_147 {strides = array<i32>} : memref<4x128xi32, #tpu.memory_space<vmem>>, vector<16xi32>,
    %iota3A_152 = tpu.iota {dimensions = array<i32: 0>} : vector<16xi32>
    %add3A_153 = arith.constant 256 : i32
    %add3A_154 = vector.broadcast %add3A_153 : i32 to vector<16xi32>
    %add3A_155 = arith.addi %iota3A_152, %add3A_154 : vector<16xi32>
    %swap3A_156 = arith.constant 2 : i32
    %swap3A_157 = arith.index_cast %swap3A_156 : i32 to index
    %swap3A_158 = arith.constant 0 : index
    %swap3A_159 = tpu.vector_load %arg22[%swap3A_157, %swap3A_158] {strides = array<i32>} : memref<4x128xi32, #tpu.memory_space<vmem>>, vector<16xi32>,
    tpu.vector_store %arg22[%swap3A_157, %swap3A_158], %add3A_155 {strides = array<i32>} : memref<4x128xi32, #tpu.memory_space<vmem>>, vector<16xi32>,
    %iota3A_160 = tpu.iota {dimensions = array<i32: 0>} : vector<16xi32>
    %add3A_161 = arith.constant 272 : i32
    %add3A_162 = vector.broadcast %add3A_161 : i32 to vector<16xi32>
    %add3A_163 = arith.addi %iota3A_160, %add3A_162 : vector<16xi32>
    %swap3A_164 = arith.constant 2 : i32
    %swap3A_165 = arith.index_cast %swap3A_164 : i32 to index
    %swap3A_166 = arith.constant 16 : index
    %swap3A_167 = tpu.vector_load %arg22[%swap3A_165, %swap3A_166] {strides = array<i32>} : memref<4x128xi32, #tpu.memory_space<vmem>>, vector<16xi32>,
    tpu.vector_store %arg22[%swap3A_165, %swap3A_166], %add3A_163 {strides = array<i32>} : memref<4x128xi32, #tpu.memory_space<vmem>>, vector<16xi32>,
    %iota3A_168 = tpu.iota {dimensions = array<i32: 0>} : vector<16xi32>
    %add3A_169 = arith.constant 288 : i32
    %add3A_170 = vector.broadcast %add3A_169 : i32 to vector<16xi32>
    %add3A_171 = arith.addi %iota3A_168, %add3A_170 : vector<16xi32>
    %swap3A_172 = arith.constant 2 : i32
    %swap3A_173 = arith.index_cast %swap3A_172 : i32 to index
    %swap3A_174 = arith.constant 32 : index
    %swap3A_175 = tpu.vector_load %arg22[%swap3A_173, %swap3A_174] {strides = array<i32>} : memref<4x128xi32, #tpu.memory_space<vmem>>, vector<16xi32>,
    tpu.vector_store %arg22[%swap3A_173, %swap3A_174], %add3A_171 {strides = array<i32>} : memref<4x128xi32, #tpu.memory_space<vmem>>, vector<16xi32>,
    %iota3A_176 = tpu.iota {dimensions = array<i32: 0>} : vector<16xi32>
    %add3A_177 = arith.constant 304 : i32
    %add3A_178 = vector.broadcast %add3A_177 : i32 to vector<16xi32>
    %add3A_179 = arith.addi %iota3A_176, %add3A_178 : vector<16xi32>
    %swap3A_180 = arith.constant 2 : i32
    %swap3A_181 = arith.index_cast %swap3A_180 : i32 to index
    %swap3A_182 = arith.constant 48 : index
    %swap3A_183 = tpu.vector_load %arg22[%swap3A_181, %swap3A_182] {strides = array<i32>} : memref<4x128xi32, #tpu.memory_space<vmem>>, vector<16xi32>,
    tpu.vector_store %arg22[%swap3A_181, %swap3A_182], %add3A_179 {strides = array<i32>} : memref<4x128xi32, #tpu.memory_space<vmem>>, vector<16xi32>,
    %iota3A_184 = tpu.iota {dimensions = array<i32: 0>} : vector<16xi32>
    %add3A_185 = arith.constant 320 : i32
    %add3A_186 = vector.broadcast %add3A_185 : i32 to vector<16xi32>
    %add3A_187 = arith.addi %iota3A_184, %add3A_186 : vector<16xi32>
    %swap3A_188 = arith.constant 2 : i32
    %swap3A_189 = arith.index_cast %swap3A_188 : i32 to index
    %swap3A_190 = arith.constant 64 : index
    %swap3A_191 = tpu.vector_load %arg22[%swap3A_189, %swap3A_190] {strides = array<i32>} : memref<4x128xi32, #tpu.memory_space<vmem>>, vector<16xi32>,
    tpu.vector_store %arg22[%swap3A_189, %swap3A_190], %add3A_187 {strides = array<i32>} : memref<4x128xi32, #tpu.memory_space<vmem>>, vector<16xi32>,
    %iota3A_192 = tpu.iota {dimensions = array<i32: 0>} : vector<16xi32>
    %add3A_193 = arith.constant 336 : i32
    %add3A_194 = vector.broadcast %add3A_193 : i32 to vector<16xi32>
    %add3A_195 = arith.addi %iota3A_192, %add3A_194 : vector<16xi32>
    %swap3A_196 = arith.constant 2 : i32
    %swap3A_197 = arith.index_cast %swap3A_196 : i32 to index
    %swap3A_198 = arith.constant 80 : index
    %swap3A_199 = tpu.vector_load %arg22[%swap3A_197, %swap3A_198] {strides = array<i32>} : memref<4x128xi32, #tpu.memory_space<vmem>>, vector<16xi32>,
    tpu.vector_store %arg22[%swap3A_197, %swap3A_198], %add3A_195 {strides = array<i32>} : memref<4x128xi32, #tpu.memory_space<vmem>>, vector<16xi32>,
    %iota3A_200 = tpu.iota {dimensions = array<i32: 0>} : vector<16xi32>
    %add3A_201 = arith.constant 352 : i32
    %add3A_202 = vector.broadcast %add3A_201 : i32 to vector<16xi32>
    %add3A_203 = arith.addi %iota3A_200, %add3A_202 : vector<16xi32>
    %swap3A_204 = arith.constant 2 : i32
    %swap3A_205 = arith.index_cast %swap3A_204 : i32 to index
    %swap3A_206 = arith.constant 96 : index
    %swap3A_207 = tpu.vector_load %arg22[%swap3A_205, %swap3A_206] {strides = array<i32>} : memref<4x128xi32, #tpu.memory_space<vmem>>, vector<16xi32>,
    tpu.vector_store %arg22[%swap3A_205, %swap3A_206], %add3A_203 {strides = array<i32>} : memref<4x128xi32, #tpu.memory_space<vmem>>, vector<16xi32>,
    %iota3A_208 = tpu.iota {dimensions = array<i32: 0>} : vector<16xi32>
    %add3A_209 = arith.constant 368 : i32
    %add3A_210 = vector.broadcast %add3A_209 : i32 to vector<16xi32>
    %add3A_211 = arith.addi %iota3A_208, %add3A_210 : vector<16xi32>
    %swap3A_212 = arith.constant 2 : i32
    %swap3A_213 = arith.index_cast %swap3A_212 : i32 to index
    %swap3A_214 = arith.constant 112 : index
    %swap3A_215 = tpu.vector_load %arg22[%swap3A_213, %swap3A_214] {strides = array<i32>} : memref<4x128xi32, #tpu.memory_space<vmem>>, vector<16xi32>,
    tpu.vector_store %arg22[%swap3A_213, %swap3A_214], %add3A_211 {strides = array<i32>} : memref<4x128xi32, #tpu.memory_space<vmem>>, vector<16xi32>,
    %iota3A_216 = tpu.iota {dimensions = array<i32: 0>} : vector<16xi32>
    %add3A_217 = arith.constant 384 : i32
    %add3A_218 = vector.broadcast %add3A_217 : i32 to vector<16xi32>
    %add3A_219 = arith.addi %iota3A_216, %add3A_218 : vector<16xi32>
    %swap3A_220 = arith.constant 3 : i32
    %swap3A_221 = arith.index_cast %swap3A_220 : i32 to index
    %swap3A_222 = arith.constant 0 : index
    %swap3A_223 = tpu.vector_load %arg22[%swap3A_221, %swap3A_222] {strides = array<i32>} : memref<4x128xi32, #tpu.memory_space<vmem>>, vector<16xi32>,
    tpu.vector_store %arg22[%swap3A_221, %swap3A_222], %add3A_219 {strides = array<i32>} : memref<4x128xi32, #tpu.memory_space<vmem>>, vector<16xi32>,
    %iota3A_224 = tpu.iota {dimensions = array<i32: 0>} : vector<16xi32>
    %add3A_225 = arith.constant 400 : i32
    %add3A_226 = vector.broadcast %add3A_225 : i32 to vector<16xi32>
    %add3A_227 = arith.addi %iota3A_224, %add3A_226 : vector<16xi32>
    %swap3A_228 = arith.constant 3 : i32
    %swap3A_229 = arith.index_cast %swap3A_228 : i32 to index
    %swap3A_230 = arith.constant 16 : index
    %swap3A_231 = tpu.vector_load %arg22[%swap3A_229, %swap3A_230] {strides = array<i32>} : memref<4x128xi32, #tpu.memory_space<vmem>>, vector<16xi32>,
    tpu.vector_store %arg22[%swap3A_229, %swap3A_230], %add3A_227 {strides = array<i32>} : memref<4x128xi32, #tpu.memory_space<vmem>>, vector<16xi32>,
    %iota3A_232 = tpu.iota {dimensions = array<i32: 0>} : vector<16xi32>
    %add3A_233 = arith.constant 416 : i32
    %add3A_234 = vector.broadcast %add3A_233 : i32 to vector<16xi32>
    %add3A_235 = arith.addi %iota3A_232, %add3A_234 : vector<16xi32>
    %swap3A_236 = arith.constant 3 : i32
    %swap3A_237 = arith.index_cast %swap3A_236 : i32 to index
    %swap3A_238 = arith.constant 32 : index
    %swap3A_239 = tpu.vector_load %arg22[%swap3A_237, %swap3A_238] {strides = array<i32>} : memref<4x128xi32, #tpu.memory_space<vmem>>, vector<16xi32>,
    tpu.vector_store %arg22[%swap3A_237, %swap3A_238], %add3A_235 {strides = array<i32>} : memref<4x128xi32, #tpu.memory_space<vmem>>, vector<16xi32>,
    %iota3A_240 = tpu.iota {dimensions = array<i32: 0>} : vector<16xi32>
    %add3A_241 = arith.constant 432 : i32
    %add3A_242 = vector.broadcast %add3A_241 : i32 to vector<16xi32>
    %add3A_243 = arith.addi %iota3A_240, %add3A_242 : vector<16xi32>
    %swap3A_244 = arith.constant 3 : i32
    %swap3A_245 = arith.index_cast %swap3A_244 : i32 to index
    %swap3A_246 = arith.constant 48 : index
    %swap3A_247 = tpu.vector_load %arg22[%swap3A_245, %swap3A_246] {strides = array<i32>} : memref<4x128xi32, #tpu.memory_space<vmem>>, vector<16xi32>,
    tpu.vector_store %arg22[%swap3A_245, %swap3A_246], %add3A_243 {strides = array<i32>} : memref<4x128xi32, #tpu.memory_space<vmem>>, vector<16xi32>,
    %iota3A_248 = tpu.iota {dimensions = array<i32: 0>} : vector<16xi32>
    %add3A_249 = arith.constant 448 : i32
    %add3A_250 = vector.broadcast %add3A_249 : i32 to vector<16xi32>
    %add3A_251 = arith.addi %iota3A_248, %add3A_250 : vector<16xi32>
    %swap3A_252 = arith.constant 3 : i32
    %swap3A_253 = arith.index_cast %swap3A_252 : i32 to index
    %swap3A_254 = arith.constant 64 : index
    %swap3A_255 = tpu.vector_load %arg22[%swap3A_253, %swap3A_254] {strides = array<i32>} : memref<4x128xi32, #tpu.memory_space<vmem>>, vector<16xi32>,
    tpu.vector_store %arg22[%swap3A_253, %swap3A_254], %add3A_251 {strides = array<i32>} : memref<4x128xi32, #tpu.memory_space<vmem>>, vector<16xi32>,
    %iota3A_256 = tpu.iota {dimensions = array<i32: 0>} : vector<16xi32>
    %add3A_257 = arith.constant 464 : i32
    %add3A_258 = vector.broadcast %add3A_257 : i32 to vector<16xi32>
    %add3A_259 = arith.addi %iota3A_256, %add3A_258 : vector<16xi32>
    %swap3A_260 = arith.constant 3 : i32
    %swap3A_261 = arith.index_cast %swap3A_260 : i32 to index
    %swap3A_262 = arith.constant 80 : index
    %swap3A_263 = tpu.vector_load %arg22[%swap3A_261, %swap3A_262] {strides = array<i32>} : memref<4x128xi32, #tpu.memory_space<vmem>>, vector<16xi32>,
    tpu.vector_store %arg22[%swap3A_261, %swap3A_262], %add3A_259 {strides = array<i32>} : memref<4x128xi32, #tpu.memory_space<vmem>>, vector<16xi32>,
    %iota3A_264 = tpu.iota {dimensions = array<i32: 0>} : vector<16xi32>
    %add3A_265 = arith.constant 480 : i32
    %add3A_266 = vector.broadcast %add3A_265 : i32 to vector<16xi32>
    %add3A_267 = arith.addi %iota3A_264, %add3A_266 : vector<16xi32>
    %swap3A_268 = arith.constant 3 : i32
    %swap3A_269 = arith.index_cast %swap3A_268 : i32 to index
    %swap3A_270 = arith.constant 96 : index
    %swap3A_271 = tpu.vector_load %arg22[%swap3A_269, %swap3A_270] {strides = array<i32>} : memref<4x128xi32, #tpu.memory_space<vmem>>, vector<16xi32>,
    tpu.vector_store %arg22[%swap3A_269, %swap3A_270], %add3A_267 {strides = array<i32>} : memref<4x128xi32, #tpu.memory_space<vmem>>, vector<16xi32>,
    %iota3A_272 = tpu.iota {dimensions = array<i32: 0>} : vector<16xi32>
    %add3A_273 = arith.constant 496 : i32
    %add3A_274 = vector.broadcast %add3A_273 : i32 to vector<16xi32>
    %add3A_275 = arith.addi %iota3A_272, %add3A_274 : vector<16xi32>
    %swap3A_276 = arith.constant 3 : i32
    %swap3A_277 = arith.index_cast %swap3A_276 : i32 to index
    %swap3A_278 = arith.constant 112 : index
    %swap3A_279 = tpu.vector_load %arg22[%swap3A_277, %swap3A_278] {strides = array<i32>} : memref<4x128xi32, #tpu.memory_space<vmem>>, vector<16xi32>,
    tpu.vector_store %arg22[%swap3A_277, %swap3A_278], %add3A_275 {strides = array<i32>} : memref<4x128xi32, #tpu.memory_space<vmem>>, vector<16xi32>,
    %parallel_loop3A_280 = arith.constant 0 : i32
    %parallel_loop3A_281 = arith.constant 256 : i32
    %parallel_loop3A_282 = arith.constant 1 : i32
    scf.for %parallel_loop3A_310 = %parallel_loop3A_280 to %parallel_loop3A_281 step %parallel_loop3A_282  : i32 {
      %parallel_loop3A_311 = arith.constant 3 : i32
      %parallel_loop3A_312 = arith.shrsi %parallel_loop3A_310, %parallel_loop3A_311 : i32
      %parallel_loop3A_313 = arith.constant 7 : i32
      %parallel_loop3A_314 = arith.andi %parallel_loop3A_310, %parallel_loop3A_313 : i32
      %parallel_loop3A_315 = arith.constant 16 : i32
      %parallel_loop3A_316 = arith.muli %parallel_loop3A_314, %parallel_loop3A_315 : i32
      %parallel_loop3A_317 = arith.index_cast %parallel_loop3A_312 : i32 to index
      %parallel_loop3A_318 = arith.index_cast %parallel_loop3A_316 : i32 to index
      %parallel_loop3A_319 = tpu.vector_load %arg23[%parallel_loop3A_317, %parallel_loop3A_318] {strides = array<i32>} : memref<32x128xf32, #tpu.memory_space<vmem>>, vector<16xf32>,
      tpu.vector_store %arg23[%parallel_loop3A_317, %parallel_loop3A_318], %broadcast_in_dim3A_23 {strides = array<i32>} : memref<32x128xf32, #tpu.memory_space<vmem>>, vector<16xf32>,
    } {sc.loop_unroll_factor = 8 : i64, sc.parallel_access}
    %mul3A_283 = arith.constant 32 : i32
    %mul3A_284 = arith.muli %arg1, %mul3A_283 : i32
    "tpu.region"() ({
      %run_scoped3A_310 = tpu.sem_alloc : memref<!tpu.dma_semaphore, #tpu.memory_space<semaphore_mem>>
      %dma_start3A_311 = arith.constant 0 : i32
      %dma_start3A_312 = tpu.memref_slice %arg24[%mul3A_284, %dma_start3A_311] : memref<512x128xf32, #tpu.memory_space<vmem_shared>> -> memref<32x128xf32, #tpu.memory_space<vmem_shared>>
      %dma_start3A_313 = arith.constant 0 : i32
      %dma_start3A_314 = tpu.memref_slice %arg24[%mul3A_284, %dma_start3A_313] : memref<512x128xf32, #tpu.memory_space<vmem_shared>> -> memref<32x128xf32, #tpu.memory_space<vmem_shared>>
      tpu.enqueue_dma source(%arg23 : memref<32x128xf32, #tpu.memory_space<vmem>>) target(%dma_start3A_314 : memref<32x128xf32, #tpu.memory_space<vmem_shared>>) target_semaphore(%run_scoped3A_310 : memref<!tpu.dma_semaphore, #tpu.memory_space<semaphore_mem>>)
      %dma_wait3A_315 = arith.constant 0 : i32
      %dma_wait3A_316 = tpu.memref_slice %arg24[%mul3A_284, %dma_wait3A_315] : memref<512x128xf32, #tpu.memory_space<vmem_shared>> -> memref<32x128xf32, #tpu.memory_space<vmem_shared>>
      %dma_wait3A_317 = arith.constant 0 : i32
      %dma_wait3A_318 = tpu.memref_slice %arg24[%mul3A_284, %dma_wait3A_317] : memref<512x128xf32, #tpu.memory_space<vmem_shared>> -> memref<32x128xf32, #tpu.memory_space<vmem_shared>>
      tpu.wait_dma2 semaphore(%run_scoped3A_310 : memref<!tpu.dma_semaphore, #tpu.memory_space<semaphore_mem>>) src(%arg23 : memref<32x128xf32, #tpu.memory_space<vmem>>) dst(%dma_wait3A_318 : memref<32x128xf32, #tpu.memory_space<vmem_shared>>)
      tpu.yield
    }) : () -> ()
    %scan3A = arith.constant 0 : i32
    %scan3A_285 = arith.constant 0 : i32
    %scan3A_286 = arith.constant 8 : i32
    %scan3A_287 = arith.addi %scan3A_285, %scan3A_286 : i32
    %scan3A_288 = arith.constant 1 : i32
    scf.for %scan3A_310 = %scan3A_285 to %scan3A_287 step %scan3A_288  : i32 {
      %mul3A_311 = arith.constant 3 : i32
      %mul3A_312 = arith.muli %scan3A_310, %mul3A_311 : i32
      %add3A_313 = arith.constant 0 : i32
      %add3A_314 = arith.addi %mul3A_312, %add3A_313 : i32
      %mul3A_315 = arith.constant 4000 : i32
      %mul3A_316 = arith.muli %add3A_314, %mul3A_315 : i32
      %add3A_317 = arith.addi %mul3A_2, %mul3A_316 : i32
      %dma_wait3A_318 = tpu.memref_slice %arg2[%add3A_317] : memref<3200000xi32, #tpu.memory_space<hbm>> -> memref<4000xi32, #tpu.memory_space<hbm>>
      %dma_wait3A_319 = tpu.memref_slice %arg2[%add3A_317] : memref<3200000xi32, #tpu.memory_space<hbm>> -> memref<4000xi32, #tpu.memory_space<hbm>>
      tpu.wait_dma2 semaphore(%arg25 : memref<!tpu.dma_semaphore, #tpu.memory_space<semaphore_mem>>) src(%dma_wait3A_319 : memref<4000xi32, #tpu.memory_space<hbm>>) dst(%arg8 : memref<4000xi32, #tpu.memory_space<vmem>>)
      %dma_wait3A_320 = tpu.memref_slice %arg3[%add3A_317] : memref<3200000xf32, #tpu.memory_space<hbm>> -> memref<4000xf32, #tpu.memory_space<hbm>>
      %dma_wait3A_321 = tpu.memref_slice %arg3[%add3A_317] : memref<3200000xf32, #tpu.memory_space<hbm>> -> memref<4000xf32, #tpu.memory_space<hbm>>
      tpu.wait_dma2 semaphore(%arg26 : memref<!tpu.dma_semaphore, #tpu.memory_space<semaphore_mem>>) src(%dma_wait3A_321 : memref<4000xf32, #tpu.memory_space<hbm>>) dst(%arg11 : memref<4000xf32, #tpu.memory_space<vmem>>)
      %dma_wait3A_322 = tpu.memref_slice %arg4[%add3A_317] : memref<3200000xf32, #tpu.memory_space<hbm>> -> memref<4000xf32, #tpu.memory_space<hbm>>
      %dma_wait3A_323 = tpu.memref_slice %arg4[%add3A_317] : memref<3200000xf32, #tpu.memory_space<hbm>> -> memref<4000xf32, #tpu.memory_space<hbm>>
      tpu.wait_dma2 semaphore(%arg27 : memref<!tpu.dma_semaphore, #tpu.memory_space<semaphore_mem>>) src(%dma_wait3A_323 : memref<4000xf32, #tpu.memory_space<hbm>>) dst(%arg14 : memref<4000xf32, #tpu.memory_space<vmem>>)
      %dma_wait3A_324 = tpu.memref_slice %arg5[%add3A_317] : memref<3200000xf32, #tpu.memory_space<hbm>> -> memref<4000xf32, #tpu.memory_space<hbm>>
      %dma_wait3A_325 = tpu.memref_slice %arg5[%add3A_317] : memref<3200000xf32, #tpu.memory_space<hbm>> -> memref<4000xf32, #tpu.memory_space<hbm>>
      tpu.wait_dma2 semaphore(%arg28 : memref<!tpu.dma_semaphore, #tpu.memory_space<semaphore_mem>>) src(%dma_wait3A_325 : memref<4000xf32, #tpu.memory_space<hbm>>) dst(%arg17 : memref<4000xf32, #tpu.memory_space<vmem>>)
      %add3A_326 = arith.constant 2 : i32
      %add3A_327 = arith.addi %add3A_314, %add3A_326 : i32
      %lt3A = arith.constant 25 : i32
      %lt3A_328 = arith.cmpi slt, %add3A_327, %lt3A : i32
      %convert_element_type3A = arith.extui %lt3A_328 : i1 to i32
      %cond3A = arith.constant 0 : i32
      %cond3A_329 = arith.cmpi ne, %convert_element_type3A, %cond3A : i32
      scf.if %cond3A_329 {
        %add3A_379 = arith.constant 2 : i32
        %add3A_380 = arith.addi %add3A_314, %add3A_379 : i32
        %mul3A_381 = arith.constant 4000 : i32
        %mul3A_382 = arith.muli %add3A_380, %mul3A_381 : i32
        %add3A_383 = arith.addi %mul3A_2, %mul3A_382 : i32
        %dma_start3A_384 = tpu.memref_slice %arg2[%add3A_383] : memref<3200000xi32, #tpu.memory_space<hbm>> -> memref<4000xi32, #tpu.memory_space<hbm>>
        %dma_start3A_385 = tpu.memref_slice %arg2[%add3A_383] : memref<3200000xi32, #tpu.memory_space<hbm>> -> memref<4000xi32, #tpu.memory_space<hbm>>
        tpu.enqueue_dma source(%dma_start3A_385 : memref<4000xi32, #tpu.memory_space<hbm>>) target(%arg10 : memref<4000xi32, #tpu.memory_space<vmem>>) target_semaphore(%arg33 : memref<!tpu.dma_semaphore, #tpu.memory_space<semaphore_mem>>)
        %dma_start3A_386 = tpu.memref_slice %arg3[%add3A_383] : memref<3200000xf32, #tpu.memory_space<hbm>> -> memref<4000xf32, #tpu.memory_space<hbm>>
        %dma_start3A_387 = tpu.memref_slice %arg3[%add3A_383] : memref<3200000xf32, #tpu.memory_space<hbm>> -> memref<4000xf32, #tpu.memory_space<hbm>>
        tpu.enqueue_dma source(%dma_start3A_387 : memref<4000xf32, #tpu.memory_space<hbm>>) target(%arg13 : memref<4000xf32, #tpu.memory_space<vmem>>) target_semaphore(%arg34 : memref<!tpu.dma_semaphore, #tpu.memory_space<semaphore_mem>>)
        %dma_start3A_388 = tpu.memref_slice %arg4[%add3A_383] : memref<3200000xf32, #tpu.memory_space<hbm>> -> memref<4000xf32, #tpu.memory_space<hbm>>
        %dma_start3A_389 = tpu.memref_slice %arg4[%add3A_383] : memref<3200000xf32, #tpu.memory_space<hbm>> -> memref<4000xf32, #tpu.memory_space<hbm>>
        tpu.enqueue_dma source(%dma_start3A_389 : memref<4000xf32, #tpu.memory_space<hbm>>) target(%arg16 : memref<4000xf32, #tpu.memory_space<vmem>>) target_semaphore(%arg35 : memref<!tpu.dma_semaphore, #tpu.memory_space<semaphore_mem>>)
        %dma_start3A_390 = tpu.memref_slice %arg5[%add3A_383] : memref<3200000xf32, #tpu.memory_space<hbm>> -> memref<4000xf32, #tpu.memory_space<hbm>>
        %dma_start3A_391 = tpu.memref_slice %arg5[%add3A_383] : memref<3200000xf32, #tpu.memory_space<hbm>> -> memref<4000xf32, #tpu.memory_space<hbm>>
        tpu.enqueue_dma source(%dma_start3A_391 : memref<4000xf32, #tpu.memory_space<hbm>>) target(%arg19 : memref<4000xf32, #tpu.memory_space<vmem>>) target_semaphore(%arg36 : memref<!tpu.dma_semaphore, #tpu.memory_space<semaphore_mem>>)
      } else {
      }
      %parallel_loop3A_330 = arith.constant 0 : i32
      %parallel_loop3A_331 = arith.constant 250 : i32
      %parallel_loop3A_332 = arith.constant 1 : i32
      scf.for %parallel_loop3A_379 = %parallel_loop3A_330 to %parallel_loop3A_331 step %parallel_loop3A_332  : i32 {
        %parallel_loop3A_380 = arith.constant 16 : i32
        %parallel_loop3A_381 = arith.muli %parallel_loop3A_379, %parallel_loop3A_380 : i32
        %parallel_loop3A_382 = arith.index_cast %parallel_loop3A_381 : i32 to index
        %parallel_loop3A_383 = tpu.vector_load %arg8[%parallel_loop3A_382] {strides = array<i32>} : memref<4000xi32, #tpu.memory_space<vmem>>, vector<16xi32>,
        %parallel_loop3A_384 = arith.constant 16 : i32
        %parallel_loop3A_385 = arith.muli %parallel_loop3A_379, %parallel_loop3A_384 : i32
        %parallel_loop3A_386 = arith.index_cast %parallel_loop3A_385 : i32 to index
        %parallel_loop3A_387 = tpu.vector_load %arg11[%parallel_loop3A_386] {strides = array<i32>} : memref<4000xf32, #tpu.memory_space<vmem>>, vector<16xf32>,
        %parallel_loop3A_388 = arith.constant 16 : i32
        %parallel_loop3A_389 = arith.muli %parallel_loop3A_379, %parallel_loop3A_388 : i32
        %parallel_loop3A_390 = arith.index_cast %parallel_loop3A_389 : i32 to index
        %parallel_loop3A_391 = tpu.vector_load %arg14[%parallel_loop3A_390] {strides = array<i32>} : memref<4000xf32, #tpu.memory_space<vmem>>, vector<16xf32>,
        %parallel_loop3A_392 = arith.constant 16 : i32
        %parallel_loop3A_393 = arith.muli %parallel_loop3A_379, %parallel_loop3A_392 : i32
        %parallel_loop3A_394 = arith.index_cast %parallel_loop3A_393 : i32 to index
        %parallel_loop3A_395 = tpu.vector_load %arg17[%parallel_loop3A_394] {strides = array<i32>} : memref<4000xf32, #tpu.memory_space<vmem>>, vector<16xf32>,
        %parallel_loop3A_396 = arith.cmpf ole, %parallel_loop3A_391, %get3A_22 : vector<16xf32>
        %parallel_loop3A_397 = arith.cmpf olt, %get3A_22, %parallel_loop3A_395 : vector<16xf32>
        %parallel_loop3A_398 = arith.andi %parallel_loop3A_396, %parallel_loop3A_397 : vector<16xi1>
        %parallel_loop3A_399 = arith.constant 50000 : i32
        %parallel_loop3A_400 = vector.broadcast %parallel_loop3A_399 : i32 to vector<16xi32>
        %parallel_loop3A_401 = arith.cmpi slt, %parallel_loop3A_383, %parallel_loop3A_400 : vector<16xi32>
        %parallel_loop3A_402 = arith.constant 50000 : i32
        %parallel_loop3A_403 = vector.broadcast %parallel_loop3A_402 : i32 to vector<16xi32>
        %parallel_loop3A_404 = arith.subi %parallel_loop3A_383, %parallel_loop3A_403 : vector<16xi32>
        %parallel_loop3A_405 = arith.select %parallel_loop3A_401, %parallel_loop3A_383, %parallel_loop3A_404 : vector<16xi1>, vector<16xi32>
        %parallel_loop3A_406 = arith.constant 52429 : i32
        %parallel_loop3A_407 = vector.broadcast %parallel_loop3A_406 : i32 to vector<16xi32>
        %parallel_loop3A_408 = arith.muli %parallel_loop3A_405, %parallel_loop3A_407 : vector<16xi32>
        %parallel_loop3A_409 = arith.constant 19 : i32
        %parallel_loop3A_410 = vector.broadcast %parallel_loop3A_409 : i32 to vector<16xi32>
        %parallel_loop3A_411 = arith.shrui %parallel_loop3A_408, %parallel_loop3A_410 : vector<16xi32>
        %parallel_loop3A_412 = arith.constant 5120 : i32
        %parallel_loop3A_413 = vector.broadcast %parallel_loop3A_412 : i32 to vector<16xi32>
        %parallel_loop3A_414 = arith.muli %parallel_loop3A_405, %parallel_loop3A_413 : vector<16xi32>
        %parallel_loop3A_415 = arith.constant 5120 : i32
        %parallel_loop3A_416 = vector.broadcast %parallel_loop3A_415 : i32 to vector<16xi32>
        %parallel_loop3A_417 = arith.addi %parallel_loop3A_414, %parallel_loop3A_416 : vector<16xi32>
        %parallel_loop3A_418 = arith.constant 51200 : i32
        %parallel_loop3A_419 = vector.broadcast %parallel_loop3A_418 : i32 to vector<16xi32>
        %parallel_loop3A_420 = arith.muli %parallel_loop3A_411, %parallel_loop3A_419 : vector<16xi32>
        %parallel_loop3A_421 = arith.subi %parallel_loop3A_417, %parallel_loop3A_420 : vector<16xi32>
        %parallel_loop3A_422 = arith.constant 0 : i32
        %parallel_loop3A_423 = vector.broadcast %parallel_loop3A_422 : i32 to vector<16xi32>
        %parallel_loop3A_424 = arith.select %parallel_loop3A_401, %parallel_loop3A_423, %parallel_loop3A_421 : vector<16xi1>, vector<16xi32>
        %parallel_loop3A_425 = arith.addi %parallel_loop3A_411, %parallel_loop3A_424 : vector<16xi32>
        %parallel_loop3A_426 = arith.constant 7 : i32
        %parallel_loop3A_427 = vector.broadcast %parallel_loop3A_426 : i32 to vector<16xi32>
        %parallel_loop3A_428 = arith.shrsi %parallel_loop3A_425, %parallel_loop3A_427 : vector<16xi32>
        %parallel_loop3A_429 = arith.constant 127 : i32
        %parallel_loop3A_430 = vector.broadcast %parallel_loop3A_429 : i32 to vector<16xi32>
        %parallel_loop3A_431 = arith.andi %parallel_loop3A_425, %parallel_loop3A_430 : vector<16xi32>
        tpu.vector_store_idx %arg20[%parallel_loop3A_428, %parallel_loop3A_431], %parallel_loop3A_387 masked %parallel_loop3A_398 {add = true} : memref<512x128xf32, #tpu.memory_space<vmem>>[vector<16xi32>, vector<16xi32>], vector<16xf32>, vector<16xi1>
      } {sc.loop_unroll_factor = 5 : i64, sc.parallel_access}
      %add3A_333 = arith.constant 1 : i32
      %add3A_334 = arith.addi %mul3A_312, %add3A_333 : i32
      %mul3A_335 = arith.constant 4000 : i32
      %mul3A_336 = arith.muli %add3A_334, %mul3A_335 : i32
      %add3A_337 = arith.addi %mul3A_2, %mul3A_336 : i32
      %dma_wait3A_338 = tpu.memref_slice %arg2[%add3A_337] : memref<3200000xi32, #tpu.memory_space<hbm>> -> memref<4000xi32, #tpu.memory_space<hbm>>
      %dma_wait3A_339 = tpu.memref_slice %arg2[%add3A_337] : memref<3200000xi32, #tpu.memory_space<hbm>> -> memref<4000xi32, #tpu.memory_space<hbm>>
      tpu.wait_dma2 semaphore(%arg29 : memref<!tpu.dma_semaphore, #tpu.memory_space<semaphore_mem>>) src(%dma_wait3A_339 : memref<4000xi32, #tpu.memory_space<hbm>>) dst(%arg9 : memref<4000xi32, #tpu.memory_space<vmem>>)
      %dma_wait3A_340 = tpu.memref_slice %arg3[%add3A_337] : memref<3200000xf32, #tpu.memory_space<hbm>> -> memref<4000xf32, #tpu.memory_space<hbm>>
      %dma_wait3A_341 = tpu.memref_slice %arg3[%add3A_337] : memref<3200000xf32, #tpu.memory_space<hbm>> -> memref<4000xf32, #tpu.memory_space<hbm>>
      tpu.wait_dma2 semaphore(%arg30 : memref<!tpu.dma_semaphore, #tpu.memory_space<semaphore_mem>>) src(%dma_wait3A_341 : memref<4000xf32, #tpu.memory_space<hbm>>) dst(%arg12 : memref<4000xf32, #tpu.memory_space<vmem>>)
      %dma_wait3A_342 = tpu.memref_slice %arg4[%add3A_337] : memref<3200000xf32, #tpu.memory_space<hbm>> -> memref<4000xf32, #tpu.memory_space<hbm>>
      %dma_wait3A_343 = tpu.memref_slice %arg4[%add3A_337] : memref<3200000xf32, #tpu.memory_space<hbm>> -> memref<4000xf32, #tpu.memory_space<hbm>>
      tpu.wait_dma2 semaphore(%arg31 : memref<!tpu.dma_semaphore, #tpu.memory_space<semaphore_mem>>) src(%dma_wait3A_343 : memref<4000xf32, #tpu.memory_space<hbm>>) dst(%arg15 : memref<4000xf32, #tpu.memory_space<vmem>>)
      %dma_wait3A_344 = tpu.memref_slice %arg5[%add3A_337] : memref<3200000xf32, #tpu.memory_space<hbm>> -> memref<4000xf32, #tpu.memory_space<hbm>>
      %dma_wait3A_345 = tpu.memref_slice %arg5[%add3A_337] : memref<3200000xf32, #tpu.memory_space<hbm>> -> memref<4000xf32, #tpu.memory_space<hbm>>
      tpu.wait_dma2 semaphore(%arg32 : memref<!tpu.dma_semaphore, #tpu.memory_space<semaphore_mem>>) src(%dma_wait3A_345 : memref<4000xf32, #tpu.memory_space<hbm>>) dst(%arg18 : memref<4000xf32, #tpu.memory_space<vmem>>)
      %add3A_346 = arith.constant 2 : i32
      %add3A_347 = arith.addi %add3A_334, %add3A_346 : i32
      %lt3A_348 = arith.constant 25 : i32
      %lt3A_349 = arith.cmpi slt, %add3A_347, %lt3A_348 : i32
      %convert_element_type3A_350 = arith.extui %lt3A_349 : i1 to i32
      %cond3A_351 = arith.constant 0 : i32
      %cond3A_352 = arith.cmpi ne, %convert_element_type3A_350, %cond3A_351 : i32
      scf.if %cond3A_352 {
        %add3A_379 = arith.constant 2 : i32
        %add3A_380 = arith.addi %add3A_334, %add3A_379 : i32
        %mul3A_381 = arith.constant 4000 : i32
        %mul3A_382 = arith.muli %add3A_380, %mul3A_381 : i32
        %add3A_383 = arith.addi %mul3A_2, %mul3A_382 : i32
        %dma_start3A_384 = tpu.memref_slice %arg2[%add3A_383] : memref<3200000xi32, #tpu.memory_space<hbm>> -> memref<4000xi32, #tpu.memory_space<hbm>>
        %dma_start3A_385 = tpu.memref_slice %arg2[%add3A_383] : memref<3200000xi32, #tpu.memory_space<hbm>> -> memref<4000xi32, #tpu.memory_space<hbm>>
        tpu.enqueue_dma source(%dma_start3A_385 : memref<4000xi32, #tpu.memory_space<hbm>>) target(%arg8 : memref<4000xi32, #tpu.memory_space<vmem>>) target_semaphore(%arg25 : memref<!tpu.dma_semaphore, #tpu.memory_space<semaphore_mem>>)
        %dma_start3A_386 = tpu.memref_slice %arg3[%add3A_383] : memref<3200000xf32, #tpu.memory_space<hbm>> -> memref<4000xf32, #tpu.memory_space<hbm>>
        %dma_start3A_387 = tpu.memref_slice %arg3[%add3A_383] : memref<3200000xf32, #tpu.memory_space<hbm>> -> memref<4000xf32, #tpu.memory_space<hbm>>
        tpu.enqueue_dma source(%dma_start3A_387 : memref<4000xf32, #tpu.memory_space<hbm>>) target(%arg11 : memref<4000xf32, #tpu.memory_space<vmem>>) target_semaphore(%arg26 : memref<!tpu.dma_semaphore, #tpu.memory_space<semaphore_mem>>)
        %dma_start3A_388 = tpu.memref_slice %arg4[%add3A_383] : memref<3200000xf32, #tpu.memory_space<hbm>> -> memref<4000xf32, #tpu.memory_space<hbm>>
        %dma_start3A_389 = tpu.memref_slice %arg4[%add3A_383] : memref<3200000xf32, #tpu.memory_space<hbm>> -> memref<4000xf32, #tpu.memory_space<hbm>>
        tpu.enqueue_dma source(%dma_start3A_389 : memref<4000xf32, #tpu.memory_space<hbm>>) target(%arg14 : memref<4000xf32, #tpu.memory_space<vmem>>) target_semaphore(%arg27 : memref<!tpu.dma_semaphore, #tpu.memory_space<semaphore_mem>>)
        %dma_start3A_390 = tpu.memref_slice %arg5[%add3A_383] : memref<3200000xf32, #tpu.memory_space<hbm>> -> memref<4000xf32, #tpu.memory_space<hbm>>
        %dma_start3A_391 = tpu.memref_slice %arg5[%add3A_383] : memref<3200000xf32, #tpu.memory_space<hbm>> -> memref<4000xf32, #tpu.memory_space<hbm>>
        tpu.enqueue_dma source(%dma_start3A_391 : memref<4000xf32, #tpu.memory_space<hbm>>) target(%arg17 : memref<4000xf32, #tpu.memory_space<vmem>>) target_semaphore(%arg28 : memref<!tpu.dma_semaphore, #tpu.memory_space<semaphore_mem>>)
      } else {
      }
      %parallel_loop3A_353 = arith.constant 0 : i32
      %parallel_loop3A_354 = arith.constant 250 : i32
      %parallel_loop3A_355 = arith.constant 1 : i32
      scf.for %parallel_loop3A_379 = %parallel_loop3A_353 to %parallel_loop3A_354 step %parallel_loop3A_355  : i32 {
        %parallel_loop3A_380 = arith.constant 16 : i32
        %parallel_loop3A_381 = arith.muli %parallel_loop3A_379, %parallel_loop3A_380 : i32
        %parallel_loop3A_382 = arith.index_cast %parallel_loop3A_381 : i32 to index
        %parallel_loop3A_383 = tpu.vector_load %arg9[%parallel_loop3A_382] {strides = array<i32>} : memref<4000xi32, #tpu.memory_space<vmem>>, vector<16xi32>,
        %parallel_loop3A_384 = arith.constant 16 : i32
        %parallel_loop3A_385 = arith.muli %parallel_loop3A_379, %parallel_loop3A_384 : i32
        %parallel_loop3A_386 = arith.index_cast %parallel_loop3A_385 : i32 to index
        %parallel_loop3A_387 = tpu.vector_load %arg12[%parallel_loop3A_386] {strides = array<i32>} : memref<4000xf32, #tpu.memory_space<vmem>>, vector<16xf32>,
        %parallel_loop3A_388 = arith.constant 16 : i32
        %parallel_loop3A_389 = arith.muli %parallel_loop3A_379, %parallel_loop3A_388 : i32
        %parallel_loop3A_390 = arith.index_cast %parallel_loop3A_389 : i32 to index
        %parallel_loop3A_391 = tpu.vector_load %arg15[%parallel_loop3A_390] {strides = array<i32>} : memref<4000xf32, #tpu.memory_space<vmem>>, vector<16xf32>,
        %parallel_loop3A_392 = arith.constant 16 : i32
        %parallel_loop3A_393 = arith.muli %parallel_loop3A_379, %parallel_loop3A_392 : i32
        %parallel_loop3A_394 = arith.index_cast %parallel_loop3A_393 : i32 to index
        %parallel_loop3A_395 = tpu.vector_load %arg18[%parallel_loop3A_394] {strides = array<i32>} : memref<4000xf32, #tpu.memory_space<vmem>>, vector<16xf32>,
        %parallel_loop3A_396 = arith.cmpf ole, %parallel_loop3A_391, %get3A_22 : vector<16xf32>
        %parallel_loop3A_397 = arith.cmpf olt, %get3A_22, %parallel_loop3A_395 : vector<16xf32>
        %parallel_loop3A_398 = arith.andi %parallel_loop3A_396, %parallel_loop3A_397 : vector<16xi1>
        %parallel_loop3A_399 = arith.constant 50000 : i32
        %parallel_loop3A_400 = vector.broadcast %parallel_loop3A_399 : i32 to vector<16xi32>
        %parallel_loop3A_401 = arith.cmpi slt, %parallel_loop3A_383, %parallel_loop3A_400 : vector<16xi32>
        %parallel_loop3A_402 = arith.constant 50000 : i32
        %parallel_loop3A_403 = vector.broadcast %parallel_loop3A_402 : i32 to vector<16xi32>
        %parallel_loop3A_404 = arith.subi %parallel_loop3A_383, %parallel_loop3A_403 : vector<16xi32>
        %parallel_loop3A_405 = arith.select %parallel_loop3A_401, %parallel_loop3A_383, %parallel_loop3A_404 : vector<16xi1>, vector<16xi32>
        %parallel_loop3A_406 = arith.constant 52429 : i32
        %parallel_loop3A_407 = vector.broadcast %parallel_loop3A_406 : i32 to vector<16xi32>
        %parallel_loop3A_408 = arith.muli %parallel_loop3A_405, %parallel_loop3A_407 : vector<16xi32>
        %parallel_loop3A_409 = arith.constant 19 : i32
        %parallel_loop3A_410 = vector.broadcast %parallel_loop3A_409 : i32 to vector<16xi32>
        %parallel_loop3A_411 = arith.shrui %parallel_loop3A_408, %parallel_loop3A_410 : vector<16xi32>
        %parallel_loop3A_412 = arith.constant 5120 : i32
        %parallel_loop3A_413 = vector.broadcast %parallel_loop3A_412 : i32 to vector<16xi32>
        %parallel_loop3A_414 = arith.muli %parallel_loop3A_405, %parallel_loop3A_413 : vector<16xi32>
        %parallel_loop3A_415 = arith.constant 5120 : i32
        %parallel_loop3A_416 = vector.broadcast %parallel_loop3A_415 : i32 to vector<16xi32>
        %parallel_loop3A_417 = arith.addi %parallel_loop3A_414, %parallel_loop3A_416 : vector<16xi32>
        %parallel_loop3A_418 = arith.constant 51200 : i32
        %parallel_loop3A_419 = vector.broadcast %parallel_loop3A_418 : i32 to vector<16xi32>
        %parallel_loop3A_420 = arith.muli %parallel_loop3A_411, %parallel_loop3A_419 : vector<16xi32>
        %parallel_loop3A_421 = arith.subi %parallel_loop3A_417, %parallel_loop3A_420 : vector<16xi32>
        %parallel_loop3A_422 = arith.constant 0 : i32
        %parallel_loop3A_423 = vector.broadcast %parallel_loop3A_422 : i32 to vector<16xi32>
        %parallel_loop3A_424 = arith.select %parallel_loop3A_401, %parallel_loop3A_423, %parallel_loop3A_421 : vector<16xi1>, vector<16xi32>
        %parallel_loop3A_425 = arith.addi %parallel_loop3A_411, %parallel_loop3A_424 : vector<16xi32>
        %parallel_loop3A_426 = arith.constant 7 : i32
        %parallel_loop3A_427 = vector.broadcast %parallel_loop3A_426 : i32 to vector<16xi32>
        %parallel_loop3A_428 = arith.shrsi %parallel_loop3A_425, %parallel_loop3A_427 : vector<16xi32>
        %parallel_loop3A_429 = arith.constant 127 : i32
        %parallel_loop3A_430 = vector.broadcast %parallel_loop3A_429 : i32 to vector<16xi32>
        %parallel_loop3A_431 = arith.andi %parallel_loop3A_425, %parallel_loop3A_430 : vector<16xi32>
        tpu.vector_store_idx %arg20[%parallel_loop3A_428, %parallel_loop3A_431], %parallel_loop3A_387 masked %parallel_loop3A_398 {add = true} : memref<512x128xf32, #tpu.memory_space<vmem>>[vector<16xi32>, vector<16xi32>], vector<16xf32>, vector<16xi1>
      } {sc.loop_unroll_factor = 5 : i64, sc.parallel_access}
      %add3A_356 = arith.constant 2 : i32
      %add3A_357 = arith.addi %mul3A_312, %add3A_356 : i32
      %mul3A_358 = arith.constant 4000 : i32
      %mul3A_359 = arith.muli %add3A_357, %mul3A_358 : i32
      %add3A_360 = arith.addi %mul3A_2, %mul3A_359 : i32
      %dma_wait3A_361 = tpu.memref_slice %arg2[%add3A_360] : memref<3200000xi32, #tpu.memory_space<hbm>> -> memref<4000xi32, #tpu.memory_space<hbm>>
      %dma_wait3A_362 = tpu.memref_slice %arg2[%add3A_360] : memref<3200000xi32, #tpu.memory_space<hbm>> -> memref<4000xi32, #tpu.memory_space<hbm>>
      tpu.wait_dma2 semaphore(%arg33 : memref<!tpu.dma_semaphore, #tpu.memory_space<semaphore_mem>>) src(%dma_wait3A_362 : memref<4000xi32, #tpu.memory_space<hbm>>) dst(%arg10 : memref<4000xi32, #tpu.memory_space<vmem>>)
      %dma_wait3A_363 = tpu.memref_slice %arg3[%add3A_360] : memref<3200000xf32, #tpu.memory_space<hbm>> -> memref<4000xf32, #tpu.memory_space<hbm>>
      %dma_wait3A_364 = tpu.memref_slice %arg3[%add3A_360] : memref<3200000xf32, #tpu.memory_space<hbm>> -> memref<4000xf32, #tpu.memory_space<hbm>>
      tpu.wait_dma2 semaphore(%arg34 : memref<!tpu.dma_semaphore, #tpu.memory_space<semaphore_mem>>) src(%dma_wait3A_364 : memref<4000xf32, #tpu.memory_space<hbm>>) dst(%arg13 : memref<4000xf32, #tpu.memory_space<vmem>>)
      %dma_wait3A_365 = tpu.memref_slice %arg4[%add3A_360] : memref<3200000xf32, #tpu.memory_space<hbm>> -> memref<4000xf32, #tpu.memory_space<hbm>>
      %dma_wait3A_366 = tpu.memref_slice %arg4[%add3A_360] : memref<3200000xf32, #tpu.memory_space<hbm>> -> memref<4000xf32, #tpu.memory_space<hbm>>
      tpu.wait_dma2 semaphore(%arg35 : memref<!tpu.dma_semaphore, #tpu.memory_space<semaphore_mem>>) src(%dma_wait3A_366 : memref<4000xf32, #tpu.memory_space<hbm>>) dst(%arg16 : memref<4000xf32, #tpu.memory_space<vmem>>)
      %dma_wait3A_367 = tpu.memref_slice %arg5[%add3A_360] : memref<3200000xf32, #tpu.memory_space<hbm>> -> memref<4000xf32, #tpu.memory_space<hbm>>
      %dma_wait3A_368 = tpu.memref_slice %arg5[%add3A_360] : memref<3200000xf32, #tpu.memory_space<hbm>> -> memref<4000xf32, #tpu.memory_space<hbm>>
      tpu.wait_dma2 semaphore(%arg36 : memref<!tpu.dma_semaphore, #tpu.memory_space<semaphore_mem>>) src(%dma_wait3A_368 : memref<4000xf32, #tpu.memory_space<hbm>>) dst(%arg19 : memref<4000xf32, #tpu.memory_space<vmem>>)
      %add3A_369 = arith.constant 2 : i32
      %add3A_370 = arith.addi %add3A_357, %add3A_369 : i32
      %lt3A_371 = arith.constant 25 : i32
      %lt3A_372 = arith.cmpi slt, %add3A_370, %lt3A_371 : i32
      %convert_element_type3A_373 = arith.extui %lt3A_372 : i1 to i32
      %cond3A_374 = arith.constant 0 : i32
      %cond3A_375 = arith.cmpi ne, %convert_element_type3A_373, %cond3A_374 : i32
      scf.if %cond3A_375 {
        %add3A_379 = arith.constant 2 : i32
        %add3A_380 = arith.addi %add3A_357, %add3A_379 : i32
        %mul3A_381 = arith.constant 4000 : i32
        %mul3A_382 = arith.muli %add3A_380, %mul3A_381 : i32
        %add3A_383 = arith.addi %mul3A_2, %mul3A_382 : i32
        %dma_start3A_384 = tpu.memref_slice %arg2[%add3A_383] : memref<3200000xi32, #tpu.memory_space<hbm>> -> memref<4000xi32, #tpu.memory_space<hbm>>
        %dma_start3A_385 = tpu.memref_slice %arg2[%add3A_383] : memref<3200000xi32, #tpu.memory_space<hbm>> -> memref<4000xi32, #tpu.memory_space<hbm>>
        tpu.enqueue_dma source(%dma_start3A_385 : memref<4000xi32, #tpu.memory_space<hbm>>) target(%arg9 : memref<4000xi32, #tpu.memory_space<vmem>>) target_semaphore(%arg29 : memref<!tpu.dma_semaphore, #tpu.memory_space<semaphore_mem>>)
        %dma_start3A_386 = tpu.memref_slice %arg3[%add3A_383] : memref<3200000xf32, #tpu.memory_space<hbm>> -> memref<4000xf32, #tpu.memory_space<hbm>>
        %dma_start3A_387 = tpu.memref_slice %arg3[%add3A_383] : memref<3200000xf32, #tpu.memory_space<hbm>> -> memref<4000xf32, #tpu.memory_space<hbm>>
        tpu.enqueue_dma source(%dma_start3A_387 : memref<4000xf32, #tpu.memory_space<hbm>>) target(%arg12 : memref<4000xf32, #tpu.memory_space<vmem>>) target_semaphore(%arg30 : memref<!tpu.dma_semaphore, #tpu.memory_space<semaphore_mem>>)
        %dma_start3A_388 = tpu.memref_slice %arg4[%add3A_383] : memref<3200000xf32, #tpu.memory_space<hbm>> -> memref<4000xf32, #tpu.memory_space<hbm>>
        %dma_start3A_389 = tpu.memref_slice %arg4[%add3A_383] : memref<3200000xf32, #tpu.memory_space<hbm>> -> memref<4000xf32, #tpu.memory_space<hbm>>
        tpu.enqueue_dma source(%dma_start3A_389 : memref<4000xf32, #tpu.memory_space<hbm>>) target(%arg15 : memref<4000xf32, #tpu.memory_space<vmem>>) target_semaphore(%arg31 : memref<!tpu.dma_semaphore, #tpu.memory_space<semaphore_mem>>)
        %dma_start3A_390 = tpu.memref_slice %arg5[%add3A_383] : memref<3200000xf32, #tpu.memory_space<hbm>> -> memref<4000xf32, #tpu.memory_space<hbm>>
        %dma_start3A_391 = tpu.memref_slice %arg5[%add3A_383] : memref<3200000xf32, #tpu.memory_space<hbm>> -> memref<4000xf32, #tpu.memory_space<hbm>>
        tpu.enqueue_dma source(%dma_start3A_391 : memref<4000xf32, #tpu.memory_space<hbm>>) target(%arg18 : memref<4000xf32, #tpu.memory_space<vmem>>) target_semaphore(%arg32 : memref<!tpu.dma_semaphore, #tpu.memory_space<semaphore_mem>>)
      } else {
      }
      %parallel_loop3A_376 = arith.constant 0 : i32
      %parallel_loop3A_377 = arith.constant 250 : i32
      %parallel_loop3A_378 = arith.constant 1 : i32
      scf.for %parallel_loop3A_379 = %parallel_loop3A_376 to %parallel_loop3A_377 step %parallel_loop3A_378  : i32 {
        %parallel_loop3A_380 = arith.constant 16 : i32
        %parallel_loop3A_381 = arith.muli %parallel_loop3A_379, %parallel_loop3A_380 : i32
        %parallel_loop3A_382 = arith.index_cast %parallel_loop3A_381 : i32 to index
        %parallel_loop3A_383 = tpu.vector_load %arg10[%parallel_loop3A_382] {strides = array<i32>} : memref<4000xi32, #tpu.memory_space<vmem>>, vector<16xi32>,
        %parallel_loop3A_384 = arith.constant 16 : i32
        %parallel_loop3A_385 = arith.muli %parallel_loop3A_379, %parallel_loop3A_384 : i32
        %parallel_loop3A_386 = arith.index_cast %parallel_loop3A_385 : i32 to index
        %parallel_loop3A_387 = tpu.vector_load %arg13[%parallel_loop3A_386] {strides = array<i32>} : memref<4000xf32, #tpu.memory_space<vmem>>, vector<16xf32>,
        %parallel_loop3A_388 = arith.constant 16 : i32
        %parallel_loop3A_389 = arith.muli %parallel_loop3A_379, %parallel_loop3A_388 : i32
        %parallel_loop3A_390 = arith.index_cast %parallel_loop3A_389 : i32 to index
        %parallel_loop3A_391 = tpu.vector_load %arg16[%parallel_loop3A_390] {strides = array<i32>} : memref<4000xf32, #tpu.memory_space<vmem>>, vector<16xf32>,
        %parallel_loop3A_392 = arith.constant 16 : i32
        %parallel_loop3A_393 = arith.muli %parallel_loop3A_379, %parallel_loop3A_392 : i32
        %parallel_loop3A_394 = arith.index_cast %parallel_loop3A_393 : i32 to index
        %parallel_loop3A_395 = tpu.vector_load %arg19[%parallel_loop3A_394] {strides = array<i32>} : memref<4000xf32, #tpu.memory_space<vmem>>, vector<16xf32>,
        %parallel_loop3A_396 = arith.cmpf ole, %parallel_loop3A_391, %get3A_22 : vector<16xf32>
        %parallel_loop3A_397 = arith.cmpf olt, %get3A_22, %parallel_loop3A_395 : vector<16xf32>
        %parallel_loop3A_398 = arith.andi %parallel_loop3A_396, %parallel_loop3A_397 : vector<16xi1>
        %parallel_loop3A_399 = arith.constant 50000 : i32
        %parallel_loop3A_400 = vector.broadcast %parallel_loop3A_399 : i32 to vector<16xi32>
        %parallel_loop3A_401 = arith.cmpi slt, %parallel_loop3A_383, %parallel_loop3A_400 : vector<16xi32>
        %parallel_loop3A_402 = arith.constant 50000 : i32
        %parallel_loop3A_403 = vector.broadcast %parallel_loop3A_402 : i32 to vector<16xi32>
        %parallel_loop3A_404 = arith.subi %parallel_loop3A_383, %parallel_loop3A_403 : vector<16xi32>
        %parallel_loop3A_405 = arith.select %parallel_loop3A_401, %parallel_loop3A_383, %parallel_loop3A_404 : vector<16xi1>, vector<16xi32>
        %parallel_loop3A_406 = arith.constant 52429 : i32
        %parallel_loop3A_407 = vector.broadcast %parallel_loop3A_406 : i32 to vector<16xi32>
        %parallel_loop3A_408 = arith.muli %parallel_loop3A_405, %parallel_loop3A_407 : vector<16xi32>
        %parallel_loop3A_409 = arith.constant 19 : i32
        %parallel_loop3A_410 = vector.broadcast %parallel_loop3A_409 : i32 to vector<16xi32>
        %parallel_loop3A_411 = arith.shrui %parallel_loop3A_408, %parallel_loop3A_410 : vector<16xi32>
        %parallel_loop3A_412 = arith.constant 5120 : i32
        %parallel_loop3A_413 = vector.broadcast %parallel_loop3A_412 : i32 to vector<16xi32>
        %parallel_loop3A_414 = arith.muli %parallel_loop3A_405, %parallel_loop3A_413 : vector<16xi32>
        %parallel_loop3A_415 = arith.constant 5120 : i32
        %parallel_loop3A_416 = vector.broadcast %parallel_loop3A_415 : i32 to vector<16xi32>
        %parallel_loop3A_417 = arith.addi %parallel_loop3A_414, %parallel_loop3A_416 : vector<16xi32>
        %parallel_loop3A_418 = arith.constant 51200 : i32
        %parallel_loop3A_419 = vector.broadcast %parallel_loop3A_418 : i32 to vector<16xi32>
        %parallel_loop3A_420 = arith.muli %parallel_loop3A_411, %parallel_loop3A_419 : vector<16xi32>
        %parallel_loop3A_421 = arith.subi %parallel_loop3A_417, %parallel_loop3A_420 : vector<16xi32>
        %parallel_loop3A_422 = arith.constant 0 : i32
        %parallel_loop3A_423 = vector.broadcast %parallel_loop3A_422 : i32 to vector<16xi32>
        %parallel_loop3A_424 = arith.select %parallel_loop3A_401, %parallel_loop3A_423, %parallel_loop3A_421 : vector<16xi1>, vector<16xi32>
        %parallel_loop3A_425 = arith.addi %parallel_loop3A_411, %parallel_loop3A_424 : vector<16xi32>
        %parallel_loop3A_426 = arith.constant 7 : i32
        %parallel_loop3A_427 = vector.broadcast %parallel_loop3A_426 : i32 to vector<16xi32>
        %parallel_loop3A_428 = arith.shrsi %parallel_loop3A_425, %parallel_loop3A_427 : vector<16xi32>
        %parallel_loop3A_429 = arith.constant 127 : i32
        %parallel_loop3A_430 = vector.broadcast %parallel_loop3A_429 : i32 to vector<16xi32>
        %parallel_loop3A_431 = arith.andi %parallel_loop3A_425, %parallel_loop3A_430 : vector<16xi32>
        tpu.vector_store_idx %arg20[%parallel_loop3A_428, %parallel_loop3A_431], %parallel_loop3A_387 masked %parallel_loop3A_398 {add = true} : memref<512x128xf32, #tpu.memory_space<vmem>>[vector<16xi32>, vector<16xi32>], vector<16xf32>, vector<16xi1>
      } {sc.loop_unroll_factor = 5 : i64, sc.parallel_access}
    }
    %scan3A_289 = arith.constant 8 : i32
    %add3A_290 = arith.constant 96000 : i32
    %add3A_291 = arith.addi %mul3A_2, %add3A_290 : i32
    %dma_wait3A = tpu.memref_slice %arg2[%add3A_291] : memref<3200000xi32, #tpu.memory_space<hbm>> -> memref<4000xi32, #tpu.memory_space<hbm>>
    %dma_wait3A_292 = tpu.memref_slice %arg2[%add3A_291] : memref<3200000xi32, #tpu.memory_space<hbm>> -> memref<4000xi32, #tpu.memory_space<hbm>>
    tpu.wait_dma2 semaphore(%arg25 : memref<!tpu.dma_semaphore, #tpu.memory_space<semaphore_mem>>) src(%dma_wait3A_292 : memref<4000xi32, #tpu.memory_space<hbm>>) dst(%arg8 : memref<4000xi32, #tpu.memory_space<vmem>>)
    %dma_wait3A_293 = tpu.memref_slice %arg3[%add3A_291] : memref<3200000xf32, #tpu.memory_space<hbm>> -> memref<4000xf32, #tpu.memory_space<hbm>>
    %dma_wait3A_294 = tpu.memref_slice %arg3[%add3A_291] : memref<3200000xf32, #tpu.memory_space<hbm>> -> memref<4000xf32, #tpu.memory_space<hbm>>
    tpu.wait_dma2 semaphore(%arg26 : memref<!tpu.dma_semaphore, #tpu.memory_space<semaphore_mem>>) src(%dma_wait3A_294 : memref<4000xf32, #tpu.memory_space<hbm>>) dst(%arg11 : memref<4000xf32, #tpu.memory_space<vmem>>)
    %dma_wait3A_295 = tpu.memref_slice %arg4[%add3A_291] : memref<3200000xf32, #tpu.memory_space<hbm>> -> memref<4000xf32, #tpu.memory_space<hbm>>
    %dma_wait3A_296 = tpu.memref_slice %arg4[%add3A_291] : memref<3200000xf32, #tpu.memory_space<hbm>> -> memref<4000xf32, #tpu.memory_space<hbm>>
    tpu.wait_dma2 semaphore(%arg27 : memref<!tpu.dma_semaphore, #tpu.memory_space<semaphore_mem>>) src(%dma_wait3A_296 : memref<4000xf32, #tpu.memory_space<hbm>>) dst(%arg14 : memref<4000xf32, #tpu.memory_space<vmem>>)
    %dma_wait3A_297 = tpu.memref_slice %arg5[%add3A_291] : memref<3200000xf32, #tpu.memory_space<hbm>> -> memref<4000xf32, #tpu.memory_space<hbm>>
    %dma_wait3A_298 = tpu.memref_slice %arg5[%add3A_291] : memref<3200000xf32, #tpu.memory_space<hbm>> -> memref<4000xf32, #tpu.memory_space<hbm>>
    tpu.wait_dma2 semaphore(%arg28 : memref<!tpu.dma_semaphore, #tpu.memory_space<semaphore_mem>>) src(%dma_wait3A_298 : memref<4000xf32, #tpu.memory_space<hbm>>) dst(%arg17 : memref<4000xf32, #tpu.memory_space<vmem>>)
    %parallel_loop3A_299 = arith.constant 0 : i32
    %parallel_loop3A_300 = arith.constant 250 : i32
    %parallel_loop3A_301 = arith.constant 1 : i32
    scf.for %parallel_loop3A_310 = %parallel_loop3A_299 to %parallel_loop3A_300 step %parallel_loop3A_301  : i32 {
      %parallel_loop3A_311 = arith.constant 16 : i32
      %parallel_loop3A_312 = arith.muli %parallel_loop3A_310, %parallel_loop3A_311 : i32
      %parallel_loop3A_313 = arith.index_cast %parallel_loop3A_312 : i32 to index
      %parallel_loop3A_314 = tpu.vector_load %arg8[%parallel_loop3A_313] {strides = array<i32>} : memref<4000xi32, #tpu.memory_space<vmem>>, vector<16xi32>,
      %parallel_loop3A_315 = arith.constant 16 : i32
      %parallel_loop3A_316 = arith.muli %parallel_loop3A_310, %parallel_loop3A_315 : i32
      %parallel_loop3A_317 = arith.index_cast %parallel_loop3A_316 : i32 to index
      %parallel_loop3A_318 = tpu.vector_load %arg11[%parallel_loop3A_317] {strides = array<i32>} : memref<4000xf32, #tpu.memory_space<vmem>>, vector<16xf32>,
      %parallel_loop3A_319 = arith.constant 16 : i32
      %parallel_loop3A_320 = arith.muli %parallel_loop3A_310, %parallel_loop3A_319 : i32
      %parallel_loop3A_321 = arith.index_cast %parallel_loop3A_320 : i32 to index
      %parallel_loop3A_322 = tpu.vector_load %arg14[%parallel_loop3A_321] {strides = array<i32>} : memref<4000xf32, #tpu.memory_space<vmem>>, vector<16xf32>,
      %parallel_loop3A_323 = arith.constant 16 : i32
      %parallel_loop3A_324 = arith.muli %parallel_loop3A_310, %parallel_loop3A_323 : i32
      %parallel_loop3A_325 = arith.index_cast %parallel_loop3A_324 : i32 to index
      %parallel_loop3A_326 = tpu.vector_load %arg17[%parallel_loop3A_325] {strides = array<i32>} : memref<4000xf32, #tpu.memory_space<vmem>>, vector<16xf32>,
      %parallel_loop3A_327 = arith.cmpf ole, %parallel_loop3A_322, %get3A_22 : vector<16xf32>
      %parallel_loop3A_328 = arith.cmpf olt, %get3A_22, %parallel_loop3A_326 : vector<16xf32>
      %parallel_loop3A_329 = arith.andi %parallel_loop3A_327, %parallel_loop3A_328 : vector<16xi1>
      %parallel_loop3A_330 = arith.constant 50000 : i32
      %parallel_loop3A_331 = vector.broadcast %parallel_loop3A_330 : i32 to vector<16xi32>
      %parallel_loop3A_332 = arith.cmpi slt, %parallel_loop3A_314, %parallel_loop3A_331 : vector<16xi32>
      %parallel_loop3A_333 = arith.constant 50000 : i32
      %parallel_loop3A_334 = vector.broadcast %parallel_loop3A_333 : i32 to vector<16xi32>
      %parallel_loop3A_335 = arith.subi %parallel_loop3A_314, %parallel_loop3A_334 : vector<16xi32>
      %parallel_loop3A_336 = arith.select %parallel_loop3A_332, %parallel_loop3A_314, %parallel_loop3A_335 : vector<16xi1>, vector<16xi32>
      %parallel_loop3A_337 = arith.constant 52429 : i32
      %parallel_loop3A_338 = vector.broadcast %parallel_loop3A_337 : i32 to vector<16xi32>
      %parallel_loop3A_339 = arith.muli %parallel_loop3A_336, %parallel_loop3A_338 : vector<16xi32>
      %parallel_loop3A_340 = arith.constant 19 : i32
      %parallel_loop3A_341 = vector.broadcast %parallel_loop3A_340 : i32 to vector<16xi32>
      %parallel_loop3A_342 = arith.shrui %parallel_loop3A_339, %parallel_loop3A_341 : vector<16xi32>
      %parallel_loop3A_343 = arith.constant 5120 : i32
      %parallel_loop3A_344 = vector.broadcast %parallel_loop3A_343 : i32 to vector<16xi32>
      %parallel_loop3A_345 = arith.muli %parallel_loop3A_336, %parallel_loop3A_344 : vector<16xi32>
      %parallel_loop3A_346 = arith.constant 5120 : i32
      %parallel_loop3A_347 = vector.broadcast %parallel_loop3A_346 : i32 to vector<16xi32>
      %parallel_loop3A_348 = arith.addi %parallel_loop3A_345, %parallel_loop3A_347 : vector<16xi32>
      %parallel_loop3A_349 = arith.constant 51200 : i32
      %parallel_loop3A_350 = vector.broadcast %parallel_loop3A_349 : i32 to vector<16xi32>
      %parallel_loop3A_351 = arith.muli %parallel_loop3A_342, %parallel_loop3A_350 : vector<16xi32>
      %parallel_loop3A_352 = arith.subi %parallel_loop3A_348, %parallel_loop3A_351 : vector<16xi32>
      %parallel_loop3A_353 = arith.constant 0 : i32
      %parallel_loop3A_354 = vector.broadcast %parallel_loop3A_353 : i32 to vector<16xi32>
      %parallel_loop3A_355 = arith.select %parallel_loop3A_332, %parallel_loop3A_354, %parallel_loop3A_352 : vector<16xi1>, vector<16xi32>
      %parallel_loop3A_356 = arith.addi %parallel_loop3A_342, %parallel_loop3A_355 : vector<16xi32>
      %parallel_loop3A_357 = arith.constant 7 : i32
      %parallel_loop3A_358 = vector.broadcast %parallel_loop3A_357 : i32 to vector<16xi32>
      %parallel_loop3A_359 = arith.shrsi %parallel_loop3A_356, %parallel_loop3A_358 : vector<16xi32>
      %parallel_loop3A_360 = arith.constant 127 : i32
      %parallel_loop3A_361 = vector.broadcast %parallel_loop3A_360 : i32 to vector<16xi32>
      %parallel_loop3A_362 = arith.andi %parallel_loop3A_356, %parallel_loop3A_361 : vector<16xi32>
      tpu.vector_store_idx %arg20[%parallel_loop3A_359, %parallel_loop3A_362], %parallel_loop3A_318 masked %parallel_loop3A_329 {add = true} : memref<512x128xf32, #tpu.memory_space<vmem>>[vector<16xi32>, vector<16xi32>], vector<16xf32>, vector<16xi1>
    } {sc.loop_unroll_factor = 5 : i64, sc.parallel_access}
    %barrier3A = arith.constant 0 : index
    tpu.barrier barrier_id(%barrier3A)
    %run_scoped3A = arith.constant 0 : i32
    "tpu.region"() ({
      %run_scoped3A_310 = tpu.sem_alloc : memref<!tpu.dma_semaphore, #tpu.memory_space<semaphore_mem>>
      %dma_start3A_311 = arith.constant 0 : i32
      %dma_start3A_312 = arith.constant 0 : i32
      %dma_start3A_313 = tpu.memref_slice %arg20[%dma_start3A_311, %dma_start3A_312] : memref<512x128xf32, #tpu.memory_space<vmem>> -> memref<128x128xf32, #tpu.memory_space<vmem>>
      %dma_start3A_314 = arith.constant 0 : i32
      %dma_start3A_315 = tpu.memref_slice %arg22[%run_scoped3A, %dma_start3A_314] : memref<4x128xi32, #tpu.memory_space<vmem>> -> memref<1x128xi32, #tpu.memory_space<vmem>>
      %dma_start3A_316 = tpu.memref_squeeze %dma_start3A_315 : memref<1x128xi32, #tpu.memory_space<vmem>> -> memref<128xi32, #tpu.memory_space<vmem>>
      %dma_start3A_317 = arith.constant 0 : i32
      %dma_start3A_318 = arith.constant 0 : i32
      %dma_start3A_319 = tpu.memref_slice %arg24[%dma_start3A_317, %dma_start3A_318] : memref<512x128xf32, #tpu.memory_space<vmem_shared>> -> memref<512x128xf32, #tpu.memory_space<vmem_shared>>
      tpu.enqueue_indirect_dma source(%dma_start3A_313 : memref<128x128xf32, #tpu.memory_space<vmem>>) target(%dma_start3A_319 : memref<512x128xf32, #tpu.memory_space<vmem_shared>>) offsets(%dma_start3A_316 : memref<128xi32, #tpu.memory_space<vmem>>) semaphore(%run_scoped3A_310 : memref<!tpu.dma_semaphore, #tpu.memory_space<semaphore_mem>>) {add = true}
      %dma_wait3A_320 = arith.constant 0 : i32
      %dma_wait3A_321 = arith.constant 0 : i32
      %dma_wait3A_322 = tpu.memref_slice %arg20[%dma_wait3A_320, %dma_wait3A_321] : memref<512x128xf32, #tpu.memory_space<vmem>> -> memref<128x128xf32, #tpu.memory_space<vmem>>
      %dma_wait3A_323 = arith.constant 0 : i32
      %dma_wait3A_324 = tpu.memref_slice %arg22[%run_scoped3A, %dma_wait3A_323] : memref<4x128xi32, #tpu.memory_space<vmem>> -> memref<1x128xi32, #tpu.memory_space<vmem>>
      %dma_wait3A_325 = tpu.memref_squeeze %dma_wait3A_324 : memref<1x128xi32, #tpu.memory_space<vmem>> -> memref<128xi32, #tpu.memory_space<vmem>>
      %dma_wait3A_326 = arith.constant 0 : i32
      %dma_wait3A_327 = arith.constant 0 : i32
      %dma_wait3A_328 = tpu.memref_slice %arg24[%dma_wait3A_326, %dma_wait3A_327] : memref<512x128xf32, #tpu.memory_space<vmem_shared>> -> memref<512x128xf32, #tpu.memory_space<vmem_shared>>
      tpu.wait_indirect_dma semaphore(%run_scoped3A_310 : memref<!tpu.dma_semaphore, #tpu.memory_space<semaphore_mem>>) src(%dma_wait3A_322 : memref<128x128xf32, #tpu.memory_space<vmem>>) dst(%dma_wait3A_328 : memref<512x128xf32, #tpu.memory_space<vmem_shared>>)
      tpu.yield
    }) : () -> ()
    %run_scoped3A_302 = arith.constant 1 : i32
    "tpu.region"() ({
      %run_scoped3A_310 = tpu.sem_alloc : memref<!tpu.dma_semaphore, #tpu.memory_space<semaphore_mem>>
      %dma_start3A_311 = arith.constant 128 : i32
      %dma_start3A_312 = arith.constant 0 : i32
      %dma_start3A_313 = tpu.memref_slice %arg20[%dma_start3A_311, %dma_start3A_312] : memref<512x128xf32, #tpu.memory_space<vmem>> -> memref<128x128xf32, #tpu.memory_space<vmem>>
      %dma_start3A_314 = arith.constant 0 : i32
      %dma_start3A_315 = tpu.memref_slice %arg22[%run_scoped3A_302, %dma_start3A_314] : memref<4x128xi32, #tpu.memory_space<vmem>> -> memref<1x128xi32, #tpu.memory_space<vmem>>
      %dma_start3A_316 = tpu.memref_squeeze %dma_start3A_315 : memref<1x128xi32, #tpu.memory_space<vmem>> -> memref<128xi32, #tpu.memory_space<vmem>>
      %dma_start3A_317 = arith.constant 0 : i32
      %dma_start3A_318 = arith.constant 0 : i32
      %dma_start3A_319 = tpu.memref_slice %arg24[%dma_start3A_317, %dma_start3A_318] : memref<512x128xf32, #tpu.memory_space<vmem_shared>> -> memref<512x128xf32, #tpu.memory_space<vmem_shared>>
      tpu.enqueue_indirect_dma source(%dma_start3A_313 : memref<128x128xf32, #tpu.memory_space<vmem>>) target(%dma_start3A_319 : memref<512x128xf32, #tpu.memory_space<vmem_shared>>) offsets(%dma_start3A_316 : memref<128xi32, #tpu.memory_space<vmem>>) semaphore(%run_scoped3A_310 : memref<!tpu.dma_semaphore, #tpu.memory_space<semaphore_mem>>) {add = true}
      %dma_wait3A_320 = arith.constant 128 : i32
      %dma_wait3A_321 = arith.constant 0 : i32
      %dma_wait3A_322 = tpu.memref_slice %arg20[%dma_wait3A_320, %dma_wait3A_321] : memref<512x128xf32, #tpu.memory_space<vmem>> -> memref<128x128xf32, #tpu.memory_space<vmem>>
      %dma_wait3A_323 = arith.constant 0 : i32
      %dma_wait3A_324 = tpu.memref_slice %arg22[%run_scoped3A_302, %dma_wait3A_323] : memref<4x128xi32, #tpu.memory_space<vmem>> -> memref<1x128xi32, #tpu.memory_space<vmem>>
      %dma_wait3A_325 = tpu.memref_squeeze %dma_wait3A_324 : memref<1x128xi32, #tpu.memory_space<vmem>> -> memref<128xi32, #tpu.memory_space<vmem>>
      %dma_wait3A_326 = arith.constant 0 : i32
      %dma_wait3A_327 = arith.constant 0 : i32
      %dma_wait3A_328 = tpu.memref_slice %arg24[%dma_wait3A_326, %dma_wait3A_327] : memref<512x128xf32, #tpu.memory_space<vmem_shared>> -> memref<512x128xf32, #tpu.memory_space<vmem_shared>>
      tpu.wait_indirect_dma semaphore(%run_scoped3A_310 : memref<!tpu.dma_semaphore, #tpu.memory_space<semaphore_mem>>) src(%dma_wait3A_322 : memref<128x128xf32, #tpu.memory_space<vmem>>) dst(%dma_wait3A_328 : memref<512x128xf32, #tpu.memory_space<vmem_shared>>)
      tpu.yield
    }) : () -> ()
    %run_scoped3A_303 = arith.constant 2 : i32
    "tpu.region"() ({
      %run_scoped3A_310 = tpu.sem_alloc : memref<!tpu.dma_semaphore, #tpu.memory_space<semaphore_mem>>
      %dma_start3A_311 = arith.constant 256 : i32
      %dma_start3A_312 = arith.constant 0 : i32
      %dma_start3A_313 = tpu.memref_slice %arg20[%dma_start3A_311, %dma_start3A_312] : memref<512x128xf32, #tpu.memory_space<vmem>> -> memref<128x128xf32, #tpu.memory_space<vmem>>
      %dma_start3A_314 = arith.constant 0 : i32
      %dma_start3A_315 = tpu.memref_slice %arg22[%run_scoped3A_303, %dma_start3A_314] : memref<4x128xi32, #tpu.memory_space<vmem>> -> memref<1x128xi32, #tpu.memory_space<vmem>>
      %dma_start3A_316 = tpu.memref_squeeze %dma_start3A_315 : memref<1x128xi32, #tpu.memory_space<vmem>> -> memref<128xi32, #tpu.memory_space<vmem>>
      %dma_start3A_317 = arith.constant 0 : i32
      %dma_start3A_318 = arith.constant 0 : i32
      %dma_start3A_319 = tpu.memref_slice %arg24[%dma_start3A_317, %dma_start3A_318] : memref<512x128xf32, #tpu.memory_space<vmem_shared>> -> memref<512x128xf32, #tpu.memory_space<vmem_shared>>
      tpu.enqueue_indirect_dma source(%dma_start3A_313 : memref<128x128xf32, #tpu.memory_space<vmem>>) target(%dma_start3A_319 : memref<512x128xf32, #tpu.memory_space<vmem_shared>>) offsets(%dma_start3A_316 : memref<128xi32, #tpu.memory_space<vmem>>) semaphore(%run_scoped3A_310 : memref<!tpu.dma_semaphore, #tpu.memory_space<semaphore_mem>>) {add = true}
      %dma_wait3A_320 = arith.constant 256 : i32
      %dma_wait3A_321 = arith.constant 0 : i32
      %dma_wait3A_322 = tpu.memref_slice %arg20[%dma_wait3A_320, %dma_wait3A_321] : memref<512x128xf32, #tpu.memory_space<vmem>> -> memref<128x128xf32, #tpu.memory_space<vmem>>
      %dma_wait3A_323 = arith.constant 0 : i32
      %dma_wait3A_324 = tpu.memref_slice %arg22[%run_scoped3A_303, %dma_wait3A_323] : memref<4x128xi32, #tpu.memory_space<vmem>> -> memref<1x128xi32, #tpu.memory_space<vmem>>
      %dma_wait3A_325 = tpu.memref_squeeze %dma_wait3A_324 : memref<1x128xi32, #tpu.memory_space<vmem>> -> memref<128xi32, #tpu.memory_space<vmem>>
      %dma_wait3A_326 = arith.constant 0 : i32
      %dma_wait3A_327 = arith.constant 0 : i32
      %dma_wait3A_328 = tpu.memref_slice %arg24[%dma_wait3A_326, %dma_wait3A_327] : memref<512x128xf32, #tpu.memory_space<vmem_shared>> -> memref<512x128xf32, #tpu.memory_space<vmem_shared>>
      tpu.wait_indirect_dma semaphore(%run_scoped3A_310 : memref<!tpu.dma_semaphore, #tpu.memory_space<semaphore_mem>>) src(%dma_wait3A_322 : memref<128x128xf32, #tpu.memory_space<vmem>>) dst(%dma_wait3A_328 : memref<512x128xf32, #tpu.memory_space<vmem_shared>>)
      tpu.yield
    }) : () -> ()
    %run_scoped3A_304 = arith.constant 3 : i32
    "tpu.region"() ({
      %run_scoped3A_310 = tpu.sem_alloc : memref<!tpu.dma_semaphore, #tpu.memory_space<semaphore_mem>>
      %dma_start3A_311 = arith.constant 384 : i32
      %dma_start3A_312 = arith.constant 0 : i32
      %dma_start3A_313 = tpu.memref_slice %arg20[%dma_start3A_311, %dma_start3A_312] : memref<512x128xf32, #tpu.memory_space<vmem>> -> memref<128x128xf32, #tpu.memory_space<vmem>>
      %dma_start3A_314 = arith.constant 0 : i32
      %dma_start3A_315 = tpu.memref_slice %arg22[%run_scoped3A_304, %dma_start3A_314] : memref<4x128xi32, #tpu.memory_space<vmem>> -> memref<1x128xi32, #tpu.memory_space<vmem>>
      %dma_start3A_316 = tpu.memref_squeeze %dma_start3A_315 : memref<1x128xi32, #tpu.memory_space<vmem>> -> memref<128xi32, #tpu.memory_space<vmem>>
      %dma_start3A_317 = arith.constant 0 : i32
      %dma_start3A_318 = arith.constant 0 : i32
      %dma_start3A_319 = tpu.memref_slice %arg24[%dma_start3A_317, %dma_start3A_318] : memref<512x128xf32, #tpu.memory_space<vmem_shared>> -> memref<512x128xf32, #tpu.memory_space<vmem_shared>>
      tpu.enqueue_indirect_dma source(%dma_start3A_313 : memref<128x128xf32, #tpu.memory_space<vmem>>) target(%dma_start3A_319 : memref<512x128xf32, #tpu.memory_space<vmem_shared>>) offsets(%dma_start3A_316 : memref<128xi32, #tpu.memory_space<vmem>>) semaphore(%run_scoped3A_310 : memref<!tpu.dma_semaphore, #tpu.memory_space<semaphore_mem>>) {add = true}
      %dma_wait3A_320 = arith.constant 384 : i32
      %dma_wait3A_321 = arith.constant 0 : i32
      %dma_wait3A_322 = tpu.memref_slice %arg20[%dma_wait3A_320, %dma_wait3A_321] : memref<512x128xf32, #tpu.memory_space<vmem>> -> memref<128x128xf32, #tpu.memory_space<vmem>>
      %dma_wait3A_323 = arith.constant 0 : i32
      %dma_wait3A_324 = tpu.memref_slice %arg22[%run_scoped3A_304, %dma_wait3A_323] : memref<4x128xi32, #tpu.memory_space<vmem>> -> memref<1x128xi32, #tpu.memory_space<vmem>>
      %dma_wait3A_325 = tpu.memref_squeeze %dma_wait3A_324 : memref<1x128xi32, #tpu.memory_space<vmem>> -> memref<128xi32, #tpu.memory_space<vmem>>
      %dma_wait3A_326 = arith.constant 0 : i32
      %dma_wait3A_327 = arith.constant 0 : i32
      %dma_wait3A_328 = tpu.memref_slice %arg24[%dma_wait3A_326, %dma_wait3A_327] : memref<512x128xf32, #tpu.memory_space<vmem_shared>> -> memref<512x128xf32, #tpu.memory_space<vmem_shared>>
      tpu.wait_indirect_dma semaphore(%run_scoped3A_310 : memref<!tpu.dma_semaphore, #tpu.memory_space<semaphore_mem>>) src(%dma_wait3A_322 : memref<128x128xf32, #tpu.memory_space<vmem>>) dst(%dma_wait3A_328 : memref<512x128xf32, #tpu.memory_space<vmem_shared>>)
      tpu.yield
    }) : () -> ()
    %barrier3A_305 = arith.constant 0 : index
    tpu.barrier barrier_id(%barrier3A_305)
    %mul3A_306 = arith.constant 32 : i32
    %mul3A_307 = arith.muli %arg1, %mul3A_306 : i32
    "tpu.region"() ({
      %run_scoped3A_310 = tpu.sem_alloc : memref<!tpu.dma_semaphore, #tpu.memory_space<semaphore_mem>>
      %dma_start3A_311 = arith.constant 0 : i32
      %dma_start3A_312 = tpu.memref_slice %arg24[%mul3A_307, %dma_start3A_311] : memref<512x128xf32, #tpu.memory_space<vmem_shared>> -> memref<32x128xf32, #tpu.memory_space<vmem_shared>>
      %dma_start3A_313 = arith.constant 0 : i32
      %dma_start3A_314 = tpu.memref_slice %arg24[%mul3A_307, %dma_start3A_313] : memref<512x128xf32, #tpu.memory_space<vmem_shared>> -> memref<32x128xf32, #tpu.memory_space<vmem_shared>>
      tpu.enqueue_dma source(%dma_start3A_314 : memref<32x128xf32, #tpu.memory_space<vmem_shared>>) target(%arg23 : memref<32x128xf32, #tpu.memory_space<vmem>>) target_semaphore(%run_scoped3A_310 : memref<!tpu.dma_semaphore, #tpu.memory_space<semaphore_mem>>)
      %dma_wait3A_315 = arith.constant 0 : i32
      %dma_wait3A_316 = tpu.memref_slice %arg24[%mul3A_307, %dma_wait3A_315] : memref<512x128xf32, #tpu.memory_space<vmem_shared>> -> memref<32x128xf32, #tpu.memory_space<vmem_shared>>
      %dma_wait3A_317 = arith.constant 0 : i32
      %dma_wait3A_318 = tpu.memref_slice %arg24[%mul3A_307, %dma_wait3A_317] : memref<512x128xf32, #tpu.memory_space<vmem_shared>> -> memref<32x128xf32, #tpu.memory_space<vmem_shared>>
      tpu.wait_dma2 semaphore(%run_scoped3A_310 : memref<!tpu.dma_semaphore, #tpu.memory_space<semaphore_mem>>) src(%dma_wait3A_318 : memref<32x128xf32, #tpu.memory_space<vmem_shared>>) dst(%arg23 : memref<32x128xf32, #tpu.memory_space<vmem>>)
      tpu.yield
    }) : () -> ()
    %mul3A_308 = arith.constant 32 : i32
    %mul3A_309 = arith.muli %arg1, %mul3A_308 : i32
    "tpu.region"() ({
      %run_scoped3A_310 = tpu.sem_alloc : memref<!tpu.dma_semaphore, #tpu.memory_space<semaphore_mem>>
      %dma_start3A_311 = arith.constant 0 : i32
      %dma_start3A_312 = tpu.memref_slice %arg7[%arg0, %mul3A_309, %dma_start3A_311] : memref<2x512x128xf32, #tpu.memory_space<hbm>> -> memref<1x32x128xf32, #tpu.memory_space<hbm>>
      %dma_start3A_313 = tpu.memref_squeeze %dma_start3A_312 : memref<1x32x128xf32, #tpu.memory_space<hbm>> -> memref<32x128xf32, #tpu.memory_space<hbm>>
      %dma_start3A_314 = arith.constant 0 : i32
      %dma_start3A_315 = tpu.memref_slice %arg7[%arg0, %mul3A_309, %dma_start3A_314] : memref<2x512x128xf32, #tpu.memory_space<hbm>> -> memref<1x32x128xf32, #tpu.memory_space<hbm>>
      %dma_start3A_316 = tpu.memref_squeeze %dma_start3A_315 : memref<1x32x128xf32, #tpu.memory_space<hbm>> -> memref<32x128xf32, #tpu.memory_space<hbm>>
      tpu.enqueue_dma source(%arg23 : memref<32x128xf32, #tpu.memory_space<vmem>>) target(%dma_start3A_316 : memref<32x128xf32, #tpu.memory_space<hbm>>) target_semaphore(%run_scoped3A_310 : memref<!tpu.dma_semaphore, #tpu.memory_space<semaphore_mem>>)
      %dma_wait3A_317 = arith.constant 0 : i32
      %dma_wait3A_318 = tpu.memref_slice %arg7[%arg0, %mul3A_309, %dma_wait3A_317] : memref<2x512x128xf32, #tpu.memory_space<hbm>> -> memref<1x32x128xf32, #tpu.memory_space<hbm>>
      %dma_wait3A_319 = tpu.memref_squeeze %dma_wait3A_318 : memref<1x32x128xf32, #tpu.memory_space<hbm>> -> memref<32x128xf32, #tpu.memory_space<hbm>>
      %dma_wait3A_320 = arith.constant 0 : i32
      %dma_wait3A_321 = tpu.memref_slice %arg7[%arg0, %mul3A_309, %dma_wait3A_320] : memref<2x512x128xf32, #tpu.memory_space<hbm>> -> memref<1x32x128xf32, #tpu.memory_space<hbm>>
      %dma_wait3A_322 = tpu.memref_squeeze %dma_wait3A_321 : memref<1x32x128xf32, #tpu.memory_space<hbm>> -> memref<32x128xf32, #tpu.memory_space<hbm>>
      tpu.wait_dma2 semaphore(%run_scoped3A_310 : memref<!tpu.dma_semaphore, #tpu.memory_space<semaphore_mem>>) src(%arg23 : memref<32x128xf32, #tpu.memory_space<vmem>>) dst(%dma_wait3A_322 : memref<32x128xf32, #tpu.memory_space<hbm>>)
      tpu.yield
    }) : () -> ()
    return
  }
}

module attributes {stable_mosaic.version = 14 : i64} {
  func.func @body(%arg0: memref<2x512x128xf32, #tpu.memory_space<vmem>>, %arg1: memref<10000xf32, #tpu.memory_space<vmem>>) attributes {dimension_semantics = [], scalar_prefetch = 0 : i64, scratch_operands = 0 : i64, tpu.core_type = #tpu.core_type<tc>} {
    %get3A = arith.constant 0 : index
    %get3A_0 = arith.constant 0 : index
    %get3A_1 = arith.constant 0 : index
    %get3A_2 = vector.load %arg0[%get3A, %get3A_0, %get3A_1] : memref<2x512x128xf32, #tpu.memory_space<vmem>>, vector<1x512x128xf32>
    %get3A_3 = vector.shape_cast %get3A_2 : vector<1x512x128xf32> to vector<512x128xf32>
    %get3A_4 = arith.constant 1 : index
    %get3A_5 = arith.constant 0 : index
    %get3A_6 = arith.constant 0 : index
    %get3A_7 = vector.load %arg0[%get3A_4, %get3A_5, %get3A_6] : memref<2x512x128xf32, #tpu.memory_space<vmem>>, vector<1x512x128xf32>
    %get3A_8 = vector.shape_cast %get3A_7 : vector<1x512x128xf32> to vector<512x128xf32>
    %add3A = arith.addf %get3A_3, %get3A_8 : vector<512x128xf32>
    %slice3A = vector.extract_strided_slice %add3A {offsets = [0, 0], sizes = [40, 128], strides = [1, 1]} : vector<512x128xf32> to vector<40x128xf32>
    %reshape3A = vector.shape_cast %slice3A : vector<40x128xf32> to vector<5120xf32>
    %slice3A_9 = vector.extract_strided_slice %add3A {offsets = [40, 0], sizes = [40, 128], strides = [1, 1]} : vector<512x128xf32> to vector<40x128xf32>
    %slice3A_10 = vector.extract_strided_slice %add3A {offsets = [80, 0], sizes = [40, 128], strides = [1, 1]} : vector<512x128xf32> to vector<40x128xf32>
    %max3A = arith.maximumf %slice3A_9, %slice3A_10 : vector<40x128xf32>
    %slice3A_11 = vector.extract_strided_slice %add3A {offsets = [120, 0], sizes = [40, 128], strides = [1, 1]} : vector<512x128xf32> to vector<40x128xf32>
    %max3A_12 = arith.maximumf %max3A, %slice3A_11 : vector<40x128xf32>
    %slice3A_13 = vector.extract_strided_slice %add3A {offsets = [160, 0], sizes = [40, 128], strides = [1, 1]} : vector<512x128xf32> to vector<40x128xf32>
    %max3A_14 = arith.maximumf %max3A_12, %slice3A_13 : vector<40x128xf32>
    %slice3A_15 = vector.extract_strided_slice %add3A {offsets = [200, 0], sizes = [40, 128], strides = [1, 1]} : vector<512x128xf32> to vector<40x128xf32>
    %max3A_16 = arith.maximumf %max3A_14, %slice3A_15 : vector<40x128xf32>
    %slice3A_17 = vector.extract_strided_slice %add3A {offsets = [240, 0], sizes = [40, 128], strides = [1, 1]} : vector<512x128xf32> to vector<40x128xf32>
    %max3A_18 = arith.maximumf %max3A_16, %slice3A_17 : vector<40x128xf32>
    %slice3A_19 = vector.extract_strided_slice %add3A {offsets = [280, 0], sizes = [40, 128], strides = [1, 1]} : vector<512x128xf32> to vector<40x128xf32>
    %max3A_20 = arith.maximumf %max3A_18, %slice3A_19 : vector<40x128xf32>
    %slice3A_21 = vector.extract_strided_slice %add3A {offsets = [320, 0], sizes = [40, 128], strides = [1, 1]} : vector<512x128xf32> to vector<40x128xf32>
    %max3A_22 = arith.maximumf %max3A_20, %slice3A_21 : vector<40x128xf32>
    %slice3A_23 = vector.extract_strided_slice %add3A {offsets = [360, 0], sizes = [40, 128], strides = [1, 1]} : vector<512x128xf32> to vector<40x128xf32>
    %max3A_24 = arith.maximumf %max3A_22, %slice3A_23 : vector<40x128xf32>
    %slice3A_25 = vector.extract_strided_slice %add3A {offsets = [400, 0], sizes = [40, 128], strides = [1, 1]} : vector<512x128xf32> to vector<40x128xf32>
    %max3A_26 = arith.maximumf %max3A_24, %slice3A_25 : vector<40x128xf32>
    %slice3A_27 = vector.extract_strided_slice %reshape3A {offsets = [0], sizes = [5000], strides = [1]} : vector<5120xf32> to vector<5000xf32>
    %swap3A = arith.constant 0 : index
    %swap3A_28 = vector.load %arg1[%swap3A] : memref<10000xf32, #tpu.memory_space<vmem>>, vector<5000xf32>
    tpu.vector_store %arg1[%swap3A], %slice3A_27 {strides = array<i32>} : memref<10000xf32, #tpu.memory_space<vmem>>, vector<5000xf32>,
    %reshape3A_29 = vector.shape_cast %max3A_26 : vector<40x128xf32> to vector<5120xf32>
    %slice3A_30 = vector.extract_strided_slice %reshape3A_29 {offsets = [0], sizes = [5000], strides = [1]} : vector<5120xf32> to vector<5000xf32>
    %swap3A_31 = arith.constant 5000 : index
    %swap3A_32 = vector.load %arg1[%swap3A_31] : memref<10000xf32, #tpu.memory_space<vmem>>, vector<5000xf32>
    tpu.vector_store %arg1[%swap3A_31], %slice3A_30 {strides = array<i32>} : memref<10000xf32, #tpu.memory_space<vmem>>, vector<5000xf32>,
    return
  }
}

</mosaic_0001>

<sc_bundles>
// kernel: kernel.4.cloned.1.call-start
scs
__scs_entry_jumppad:
0x0: {  	(pc) =	sbr.rel $0x88, $3  }
0x1: {  	(tag) =	ssettag $0x0;
	lr =	simm.s32 $0x1  }
0x2: {  	[smem:$0x3F9C] =	sst lr;
	_ =	strace $0xD0000000  }
0x3: {  	_ = 	snop  }
0x4: {  	_ = 	snop  }
0x5: {  	_ = 	snop  }
0x6: {  	_ = 	snop  }
0x7: {  	_ = 	snop  }
__scs_overlays_trampoline_lowered:
0x8: {  	[smem:$0x3FAB] =	sst s0  }
0x9: {  	[smem:$0x3FAC] =	sst s1  }
0xa: {  	[smem:$0x3FAD] =	sst s2  }
0xb: {  	[smem:$0x3FAE] =	sst s3  }
0xc: {  	[smem:$0x3FAF] =	sst s4  }
0xd: {  	[smem:$0x3FB0] =	sst s5  }
0xe: {  	[smem:$0x3FB1] =	sst s6  }
0xf: {  	[smem:$0x3FB2] =	sst s7  }
0x10: {  	[smem:$0x3FB3] =	sst s8  }
0x11: {  	[smem:$0x3FB4] =	sst s9;
	s0 =	simm.s32 @!p0 $0x0  }
0x12: {  	s1 =	sld [smem:$0x3F9A];
	s0 =	simm.s32 @p0 $0x1  }
0x13: {  	[smem:$0x3FB5] =	sst s0;
	s0 =	simm.s32 @!p1 $0x0  }
0x14: {  	s2 =	sld [smem:$0x3F99];
	s0 =	simm.s32 @p1 $0x1  }
0x15: {  	[smem:$0x3FB6] =	sst s0;
	s0 =	simm.s32 @!p2 $0x0  }
0x16: {  	s3 =	sld [smem:$0x3FDB];
	s0 =	simm.s32 @p2 $0x1  }
0x17: {  	s4 =	simm.s32 $0x1BF5;
	[smem:$0x3FB8] =	sst s0  }
0x18: {  	s0 =	sld [smem:$0x3F9B];
	_ =	swait.ge [sflag:s4], $0x0  }
0x19: {  	s7 =	sld [smem:$0x3F9C]  }
0x1a: {  	s8 =	sadd.s32 $0xFFFFE003, lr  }
0x1b: {  	s9 =	sadd.s32 $0xFFFFFEF7, lr;
	s5 =	simm.s32 $0xFFFFFFFF;
	p2 =	slt.u32 s8, $0xFFFFF086  }
0x1c: {  	p1 =	slt.u32 s9, $0xF7A;
	s5 =	simm.s32 @!p2 $0x0  }
0x1d: {  	s5 =	simm.s32 @p1 $0x1;
	p0 =	seq.s32 s7, s2  }
0x1e: {  	s7 =	smul.u32 @!p0 $0xF7A, s2;
	p2 =	seq.s32 @!p0 s5, $0x0  }
0x1f: {  	s9 =	smul.u32 $0xF7A, s1;
	s8 =	simm.s32 @!p0 $0x1BF5;
	p2 =	por !p2, p0  }
0x20: {  	[sflag:s8] =	ssyncset.s32 @!p0 $0xFFFFF086;
	s6 =	sadd.s32 @!p0 s3, s7;
	s7 =	simm.s32 @!p0 $0x108  }
0x21: {  	s3 =	sadd.s32 s3, s9;
	s6 =	sadd.s32 @!p0 $0x88, s6;
	s7 =	simm.s32 @p2 $0x1082  }
0x22: {  	[simem:s7], [sflag:s8] =	dma.local @!p0 [hbm:s6], $0xF7A  }
0x23: {  	s9 =	sor.u32 $0xD0000000, s2;
	s6 =	simm.s32 $0x108;
	_ =	swait.ge @!p0 [sflag:s8], $0x0  }
0x24: {  	s3 =	sadd.s32 $0x88, s3;
	s6 =	simm.s32 @!p1 $0x1082;
	[sflag:s4] =	ssyncset.s32 $0xFFFFF086  }
0x25: {  	[simem:s6], [sflag:s4] =	dma.local [hbm:s3], $0xF7A  }
0x26: {  	[smem:$0x3F9C] =	sst s1;
	(tag) =	ssettag s2;
	_ =	strace s9  }
0x27: {  	s1 =	sld [smem:$0x3FAC]  }
0x28: {  	s2 =	sld [smem:$0x3FAD]  }
0x29: {  	s4 =	sld [smem:$0x3FAF]  }
0x2a: {  	p0 =	seq.s32 s5, $0x0;
	s5 =	sld [smem:$0x3FB0]  }
0x2b: {  	s6 =	sld [smem:$0x3FB1]  }
0x2c: {  	s7 =	sld [smem:$0x3FB2]  }
0x2d: {  	s3 =	simm.s32 $0x108;
	s8 =	sld [smem:$0x3FB3]  }
0x2e: {  	s3 =	simm.s32 @!p0 $0x1082;
	s9 =	sld [smem:$0x3FB4]  }
0x2f: {  	lr =	sadd.s32 s0, s3;
	s0 =	sld [smem:$0x3FAB]  }
0x30: {  	s3 =	sld [smem:$0x3FAE]  }
0x31: {  	[smem:$0x3FB7] =	sst s10  }
0x32: {  	s10 =	sld [smem:$0x3FB5];
	_ =	sdelay $0x3  }
0x33: {  	p0 =	seq.s32 s10, $0x1;
	s10 =	sld [smem:$0x3FB7];
	_ =	sdelay $0x3  }
0x34: {  	[smem:$0x3FB7] =	sst s10  }
0x35: {  	s10 =	sld [smem:$0x3FB6];
	_ =	sdelay $0x3  }
0x36: {  	p1 =	seq.s32 s10, $0x1;
	s10 =	sld [smem:$0x3FB7];
	_ =	sdelay $0x3  }
0x37: {  	[smem:$0x3FB7] =	sst s10  }
0x38: {  	s10 =	sld [smem:$0x3FB8]  }
0x39: {  	_ = 	snop;
	(pc) =	sbr.ind lr, $3  }
0x3a: {  	_ = 	snop  }
0x3b: {  	_ = 	snop  }
0x3c: {  	p2 =	seq.s32 s10, $0x1;
	s10 =	sld [smem:$0x3FB7]  }
0x3d: {  	_ =	shalt  }
0x3e: {  	_ =	shalt  }
0x3f: {  	_ =	shalt  }
0x40: {  	_ =	shalt  }
0x41: {  	_ =	shalt  }
0x42: {  	_ =	shalt  }
0x43: {  	_ =	shalt  }
0x44: {  	_ =	shalt  }
0x45: {  	_ =	shalt  }
0x46: {  	_ =	shalt  }
0x47: {  	_ =	shalt  }
0x48: {  	_ =	shalt  }
0x49: {  	_ =	shalt  }
0x4a: {  	_ =	shalt  }
0x4b: {  	_ =	shalt  }
0x4c: {  	_ =	shalt  }
0x4d: {  	_ =	shalt  }
0x4e: {  	_ =	shalt  }
0x4f: {  	_ =	shalt  }
0x50: {  	_ =	shalt  }
0x51: {  	_ =	shalt  }
0x52: {  	_ =	shalt  }
0x53: {  	_ =	shalt  }
0x54: {  	_ =	shalt  }
0x55: {  	_ =	shalt  }
0x56: {  	_ =	shalt  }
0x57: {  	_ =	shalt  }
0x58: {  	_ =	shalt  }
0x59: {  	_ =	shalt  }
0x5a: {  	_ =	shalt  }
0x5b: {  	_ =	shalt  }
0x5c: {  	_ =	shalt  }
0x5d: {  	_ =	shalt  }
0x5e: {  	_ =	shalt  }
0x5f: {  	_ =	shalt  }
0x60: {  	_ =	shalt  }
0x61: {  	_ =	shalt  }
0x62: {  	_ =	shalt  }
0x63: {  	_ =	shalt  }
0x64: {  	_ =	shalt  }
0x65: {  	_ =	shalt  }
0x66: {  	_ =	shalt  }
0x67: {  	_ =	shalt  }
0x68: {  	_ =	shalt  }
0x69: {  	_ =	shalt  }
0x6a: {  	_ =	shalt  }
0x6b: {  	_ =	shalt  }
0x6c: {  	_ =	shalt  }
0x6d: {  	_ =	shalt  }
0x6e: {  	_ =	shalt  }
0x6f: {  	_ =	shalt  }
0x70: {  	_ =	shalt  }
0x71: {  	_ =	shalt  }
0x72: {  	_ =	shalt  }
0x73: {  	_ =	shalt  }
0x74: {  	_ =	shalt  }
0x75: {  	_ =	shalt  }
0x76: {  	_ =	shalt  }
0x77: {  	_ =	shalt  }
0x78: {  	_ =	shalt  }
0x79: {  	_ =	shalt  }
0x7a: {  	_ =	shalt  }
0x7b: {  	_ =	shalt  }
0x7c: {  	_ =	shalt  }
0x7d: {  	_ =	shalt  }
0x7e: {  	_ =	shalt  }
0x7f: {  	_ =	shalt  }
0x80: {  	_ =	shalt  }
0x81: {  	_ =	shalt  }
0x82: {  	_ =	shalt  }
0x83: {  	_ =	shalt  }
0x84: {  	_ =	shalt  }
0x85: {  	_ =	shalt  }
0x86: {  	_ =	shalt  }
0x87: {  	_ =	shalt  }
.Lfunc_end0:
.L_simem_size_0:
called_computation_lowered:
.L_overlay_start_0:
0x88: {  	s2 =	sld [smem:$0x3FD9]  }
0x89: {  	s3 =	sld [smem:$0x3FFE];
	_ =	sdelay $0x1  }
0x8a: {  	s1 =	srdreg.scid  }
0x8b: {  	s0 =	sand.u32 $0x1, s1  }
0x8c: {  	s17 =	sshll.u32 s0, $0xA;
	s2 =	sadd.s32 s3, s2  }
0x8d: {  	s2 =	sadd.s32 s2, s17  }
0x8e: {  	[smem:$0x3FC3] =	sst s2  }
0x8f: {  	_ = 	snop  }
0x90: {  	s2 =	sld [smem:$0x3FC9]  }
0x91: {  	s18 =	sld [smem:$0x3FC8]  }
0x92: {  	s4 =	sld [smem:$0x3FC7]  }
0x93: {  	s5 =	sld [smem:$0x3FC6]  }
0x94: {  	s6 =	sld [smem:$0x3FD0];
	(tm) =	ssettm $0x1  }
0x95: {  	s7 =	sld [smem:$0x3FFB];
	_ =	sdelay $0x3  }
0x96: {  	_ =	strace s7  }
0x97: {  	s7 =	sld [smem:$0x3FFC];
	_ =	sdelay $0x3  }
0x98: {  	_ =	strace s7  }
0x99: {  	s7 =	sld [smem:$0x3FFD];
	_ =	sdelay $0x3  }
0x9a: {  	_ =	strace s7  }
0x9b: {  	_ =	strace $0x8FFFFFFF  }
0x9c: {  	s19 =	sld [smem:$0x3FDB];
	_ =	sdelay $0x1  }
0x9d: {  	s8 =	simm.s32 $_scs_section_size  }
0x9e: {  	s9 =	simm.s32 $_size__tile_overlayer_lowered;
	s10 =	simm.s32 $_tile_overlayer_lowered  }
0x9f: {  	s22 =	simm.s32 $0x1BFF;
	s21 =	sshll.u32 s10, $0x1;
	s7 =	sadd.s32 s8, s19  }
0xa0: {  	s11 =	simm.s32 $0x0;
	s20 =	sshll.u32 s9, $0x1;
	s9 =	sadd.s32 s21, s7  }
0xa1: {  	[timem:s11], [sflag:s22] =	dma.local [hbm:s9], s20  }
0xa2: {  	_ =	swait.ge [sflag:s22], s20  }
0xa3: {  	s8 =	ssub.s32 $0x0, s20;
	[sflag:s22] =	ssyncset.done $0x0  }
0xa4: {  	[sflag:s22] =	ssyncadd.s32 s8;
	_ =	sdelay $0x1  }
0xa5: {  	s23 =	simm.s32 $0x1B8B  }
0xa6: {  	_ =	swait.ge [sflag:s23], $0x1  }
0xa7: {  	[sflag:s23] =	ssyncset.done $0x0  }
0xa8: {  	s25 =	simm.s32 $0x1B8E;
	s24 =	sld [smem:$0x3FFE];
	[sflag:s23] =	ssyncadd.s32 $0xFFFFFFFF  }
0xa9: {  	s26 =	simm.s32 $execute0_lowered;
	[smem:$0x3FD2] =	sst s25  }
0xaa: {  	s9 =	sshll.u32 s26, $0x1;
	_ =	strace $0x80000046;
	[dreg:$0x1] =	wrdreg $0xFFFFFFFF  }
0xab: {  	s28 =	simm.s32 $_size_execute0_lowered;
	s7 =	sadd.s32 s7, s9;
	[dreg:$0x0] =	wrdreg $0x0  }
0xac: {  	s9 =	sshll.u32 s28, $0x1;
	[dreg:$0x2] =	wrdreg s7  }
0xad: {  	[dreg:$0x3] =	wrdreg s9  }
0xae: {  	[dreg:$0x4] =	wrdreg $0xC0  }
0xaf: {  	_ =	task [dreg:s11], $0x5FFFF  }
0xb0: {  	[dreg:$0x1] =	wrdreg $0xFFFFFFFF  }
0xb1: {  	[dreg:$0x0] =	wrdreg $0x60  }
0xb2: {  	[dreg:$0x2] =	wrdreg s2  }
0xb3: {  	[dreg:$0x3] =	wrdreg s18  }
0xb4: {  	[dreg:$0x4] =	wrdreg s4  }
0xb5: {  	[dreg:$0x5] =	wrdreg s5  }
0xb6: {  	[dreg:$0x6] =	wrdreg s6  }
0xb7: {  	[dreg:$0x7] =	wrdreg s24  }
0xb8: {  	[dreg:$0x8] =	wrdreg $0x1D2800  }
0xb9: {  	[dreg:$0x9] =	wrdreg $0x9  }
0xba: {  	_ =	task.clear_ibuf [dreg:s11], $0xAFFFF;
	_ =	strace $0x90000046  }
0xbb: {  	s29 =	simm.s32 $0x9;
	_ =	strace $0x80000048  }
0xbc: {  	_ =	swait.ge [sflag:s29], $0x1  }
0xbd: {  	[sflag:s29] =	ssyncadd.s32 $0xFFFFFFFF  }
0xbe: {  	_ =	strace $0x90000048  }
0xbf: {  	_ =	sfence  }
0xc0: {  	s30 =	sld [smem:$0x0];
	_ =	sdelay $0x2  }
0xc1: {  	s31 =	sshll.u32 s1, $0xD;
	s1 =	sshrl.u32 s1, $0x2  }
0xc2: {  	s3 =	sand.u32 $0x4000, s31;
	s1 =	sadd.s32 s1, s30  }
0xc3: {  	s0 =	sor.u32 s3, s0;
	s1 =	sshll.u32 s1, $0x11  }
0xc4: {  	s0 =	sor.u32 s1, s0  }
0xc5: {  	s0 =	sadd.s32 $0x8F2B, s0  }
0xc6: {  	[sflag:s0] =	ssyncadd.remote.s32 $0x1  }
0xc7: {  	_ =	sfence.sel $0xFFFF  }
0xc8: {  	[dreg:$0x0] =	wrdreg $0xFFFFFFFF;
	(pc) =	sbr.abs _section_cstart, $3  }
0xc9: {  	[dreg:$0x1] =	wrdreg $0xFFFFFFFF  }
0xca: {  	_ =	task.clear_ibuf [dreg:s11], $0x2FFFF;
	_ =	strace $0x9FFFFFFF  }
0xcb: {  	(tm) =	ssettm $0x7FFFFFFF  }
tec
execute0_lowered:
.L_overlay_start_1:
0x0: {  	(tag) =	ssettag $0x1  }
0x1: {  	s0 =	rddreg [dreg:$0x0]  }
0x2: {  	s1 =	rddreg [dreg:$0x1]  }
0x3: {  	s2 =	rddreg [dreg:$0x2]  }
0x4: {  	s3 =	rddreg [dreg:$0x3]  }
0x5: {  	s4 =	srdreg.scid;
	s5 =	rddreg [dreg:$0x5]  }
0x6: {  	s12 =	rddreg [dreg:$0x6];
	s11 =	stileid.u32;
	s8 =	simm.s32 $0x0  }
0x7: {  	s17 =	simm.s32 $0x1C280;
	s28 =	simm.s32 $0x3;
	s29 =	simm.s32 $0x4  }
0x8: {  	s14 =	simm.s32 $0x7;
	s15 =	simm.s32 $0x8;
	s16 =	simm.s32 $0x9  }
0x9: {  	s4 =	sand.u32 $0x1, s4;
	[smem:$0x7FF] =	sst s8;
	s9 =	sshll.u32 s11, $0x9  }
0xa: {  	s30 =	sshll.u32 s11, $0xC;
	s6 =	sshll.u32 s4, $0x4;
	s7 =	ssub.s32 $0x2, s4  }
0xb: {  	_ =	strace $0x80000047;
	s5 =	sadd.s32 s9, s5;
	s4 =	sshll.u32 s4, $0xD  }
0xc: {  	s6 =	sor.u32 s11, s6;
	s10 =	sshrl.u32 s7, $0x1;
	s4 =	sadd.s32 s4, s5  }
0xd: {  	s6 =	smul.u32 $0x186A0, s6;
	s7 =	ssub.s32 s7, s10;
	s4 =	sadd.s32 $0x600, s4  }
0xe: {  	s11 =	simm.s32 $0xC000;
	[dreg:$0x11] =	wrdreg s4;
	s31 =	smax.u32 s7, $0x1  }
0xf: {  	v0 =	vlaneseq.u32;
	s4 =	simm.s32 $0x1;
	s7 =	simm.s32 $0x0;
	s20 =	sshrl.u32 s6, $0x3  }
0x10: {  	v1 =	vimm.f32 $0.0e+00;
	v2 =	vor.u32 $0x10, v0;
	s18 =	sadd.s32 $0x1F40, s6;
	[dreg:$0x12] =	wrdreg s31;
	s21 =	sadd.s32 s0, s20  }
0x11: {  	v3 =	vor.u32 $0x20, v0;
	v4 =	vor.u32 $0x30, v0;
	v5 =	vor.u32 $0x40, v0;
	s19 =	sadd.s32 $0x2EE0, s6;
	s22 =	sadd.s32 s1, s20;
	[dreg:$0x8] =	wrdreg s21  }
0x12: {  	v6 =	vor.u32 $0x50, v0;
	v7 =	vor.u32 $0x60, v0;
	v8 =	vor.u32 $0x70, v0;
	s23 =	sadd.s32 $0x1F4, s20;
	s13 =	sadd.s32 s2, s20;
	[dreg:$0x9] =	wrdreg s22  }
0x13: {  	v9 =	vor.u32 $0x80, v0;
	v10 =	vor.u32 $0x90, v0;
	v11 =	vor.u32 $0xA0, v0;
	s9 =	sadd.s32 s3, s20;
	s20 =	sadd.s32 $0x3E80, s6;
	[dreg:$0xa] =	wrdreg s13  }
0x14: {  	v12 =	vor.u32 $0xB0, v0;
	v13 =	vor.u32 $0xC0, v0;
	v14 =	vor.u32 $0xD0, v0;
	s6 =	simm.s32 $0xC;
	[dreg:$0xb] =	wrdreg s9;
	s24 =	sadd.s32 s0, s23  }
0x15: {  	v15 =	vor.u32 $0xE0, v0;
	v16 =	vor.u32 $0xF0, v0;
	v17 =	vor.u32 $0x100, v0;
	s25 =	sadd.s32 s1, s23;
	s26 =	sadd.s32 s2, s23;
	s10 =	sadd.s32 s3, s23  }
0x16: {  	v18 =	vor.u32 $0x110, v0;
	v19 =	vor.u32 $0x120, v0;
	v20 =	vor.u32 $0x130, v0;
	s9 =	sadd.s32 s30, s12;
	s23 =	simm.s32 $0x3000;
	[dreg:$0xc] =	wrdreg s24  }
0x17: {  	v21 =	vor.u32 $0x140, v0;
	v22 =	vor.u32 $0x150, v0;
	v23 =	vor.u32 $0x160, v0;
	s12 =	simm.s32 $0x5;
	s13 =	simm.s32 $0x6;
	[dreg:$0xd] =	wrdreg s25  }
0x18: {  	v24 =	vor.u32 $0x170, v0;
	v25 =	vor.u32 $0x180, v0;
	v26 =	vor.u32 $0x190, v0;
	s21 =	simm.s32 $0xA;
	s22 =	simm.s32 $0xB;
	[dreg:$0xe] =	wrdreg s26  }
0x19: {  	v27 =	vor.u32 $0x1A0, v0;
	v28 =	vor.u32 $0x1B0, v0;
	v29 =	vor.u32 $0x1C0, v0;
	[dreg:$0xf] =	wrdreg s10;
	s24 =	simm.s32 $0x6000;
	s25 =	simm.s32 $0x9000  }
0x1a: {  	v30 =	vor.u32 $0x1D0, v0;
	v31 =	vor.u32 $0x1E0, v0;
	v32 =	vor.u32 $0x1F0, v0;
	s10 =	simm.s32 $0xD;
	s26 =	simm.s32 $0x2;
	[dreg:$0x10] =	wrdreg s9  }
.LBB2_1:
0x1b: {  	[dreg:$0x13] =	wrdreg s7  }
0x1c: {  	s5 =	rddreg [dreg:$0x8]  }
0x1d: {  	[tilespmem:s8], [sflag:$0x1] =	stream.linear.gather [hbm4b:s5+s8], $0xFA0, $0x38;
	[tilespmem:$0x1E280] =	vst v63  }
0x1e: {  	s30 =	rddreg [dreg:$0x9]  }
0x1f: {  	[tilespmem:s23], [sflag:$0x2] =	stream.linear.gather [hbm4b:s30+s8], $0xFA0, $0x38;
	[tilespmem:$0x1E280] =	vst v63  }
0x20: {  	s31 =	rddreg [dreg:$0xa]  }
0x21: {  	[tilespmem:s24], [sflag:$0x3] =	stream.linear.gather [hbm4b:s31+s8], $0xFA0, $0x38;
	[tilespmem:$0x1E280] =	vst v63  }
0x22: {  	s7 =	rddreg [dreg:$0xb]  }
0x23: {  	[tilespmem:s25], [sflag:$0x4] =	stream.linear.gather [hbm4b:s7+s8], $0xFA0, $0x38;
	[tilespmem:$0x1E280] =	vst v63  }
0x24: {  	s30 =	rddreg [dreg:$0xc];
	s31 =	simm.s32 $0x1000  }
0x25: {  	[tilespmem:s31], [sflag:$0x5] =	stream.linear.gather [hbm4b:s30+s8], $0xFA0, $0x38;
	[tilespmem:$0x1E280] =	vst v63  }
0x26: {  	s30 =	rddreg [dreg:$0xd];
	s31 =	simm.s32 $0x4000  }
0x27: {  	[tilespmem:s31], [sflag:$0x6] =	stream.linear.gather [hbm4b:s30+s8], $0xFA0, $0x38;
	[tilespmem:$0x1E280] =	vst v63  }
0x28: {  	s30 =	rddreg [dreg:$0xe];
	s31 =	simm.s32 $0x7000  }
0x29: {  	[tilespmem:s31], [sflag:$0x7] =	stream.linear.gather [hbm4b:s30+s8], $0xFA0, $0x38;
	[tilespmem:$0x1E280] =	vst v63  }
0x2a: {  	s30 =	rddreg [dreg:$0xf];
	s31 =	simm.s32 $0xA000  }
0x2b: {  	[tilespmem:s31], [sflag:$0x8] =	stream.linear.gather [hbm4b:s30+s8], $0xFA0, $0x38;
	[tilespmem:$0x1E280] =	vst v63  }
0x2c: {  	s30 =	rddreg [dreg:$0x4];
	s31 =	simm.s32 $0x1C000  }
0x2d: {  	[tilespmem:s31], [sflag:$0xD] =	stream.linear.gather [hbm4b:s30+s8], $0x80, $0x38;
	[tilespmem:$0x1E280] =	vst v63  }
0x2e: {  	_ =	swait.ge [sflag:s10], $0x80  }
0x2f: {  	[sflag:s10] =	ssyncset.done $0x0  }
0x30: {  	s5 =	simm.s32 $0xC040;
	[sflag:s10] =	ssyncadd.s32 $0xFFFFFF80  }
0x31: {  	v33 =	vld [tilespmem:$0x1C000];
	[tilespmem:s5+$0xFFFFFFC0] =	vst v1  }
0x32: {  	[tilespmem:s5+$0x30] =	vst v1  }
0x33: {  	[tilespmem:s5+$0x20] =	vst v1  }
0x34: {  	[tilespmem:s5+$0x10] =	vst v1  }
0x35: {  	[tilespmem:s5+$0x0] =	vst v1  }
0x36: {  	[tilespmem:s5+$0xFFFFFFF0] =	vst v1  }
0x37: {  	s7 =	simm.s32 $0x0;
	[tilespmem:s5+$0xFFFFFFE0] =	vst v1  }
.LBB2_2:
0x38: {  	s7 =	sadd.s32 $0x8, s7;
	[tilespmem:s5+$0xFFFFFFD0] =	vst v1;
	s5 =	sadd.s32 $0x80, s5  }
0x39: {  	[tilespmem:s5+$0xFFFFFFC0] =	vst v1;
	p0 =	slt.u32 s7, $0xFF8  }
0x3a: {  	[tilespmem:s5+$0x30] =	vst v1  }
.Ltmp0:
0x3b: {  	[tilespmem:s5+$0x20] =	vst v1;
	(pc) =	sbr.rel @p0 .LBB2_2-.Ltmp0, $4  }
0x3c: {  	[tilespmem:s5+$0x10] =	vst v1  }
0x3d: {  	[tilespmem:s5+$0x0] =	vst v1  }
0x3e: {  	[tilespmem:s5+$0xFFFFFFF0] =	vst v1  }
0x3f: {  	[tilespmem:s5+$0xFFFFFFE0] =	vst v1  }
0x40: {  	[tilespmem:s5+$0xFFFFFFD0] =	vst v1  }
0x41: {  	[tilespmem:$0x1C080] =	vst v0  }
0x42: {  	[tilespmem:$0x1C090] =	vst v2  }
0x43: {  	[tilespmem:$0x1C0A0] =	vst v3  }
0x44: {  	[tilespmem:$0x1C0B0] =	vst v4  }
0x45: {  	[tilespmem:$0x1C0C0] =	vst v5  }
0x46: {  	[tilespmem:$0x1C0D0] =	vst v6  }
0x47: {  	[tilespmem:$0x1C0E0] =	vst v7  }
0x48: {  	[tilespmem:$0x1C0F0] =	vst v8  }
0x49: {  	[tilespmem:$0x1C100] =	vst v9  }
0x4a: {  	[tilespmem:$0x1C110] =	vst v10  }
0x4b: {  	[tilespmem:$0x1C120] =	vst v11  }
0x4c: {  	[tilespmem:$0x1C130] =	vst v12  }
0x4d: {  	[tilespmem:$0x1C140] =	vst v13  }
0x4e: {  	[tilespmem:$0x1C150] =	vst v14  }
0x4f: {  	[tilespmem:$0x1C160] =	vst v15  }
0x50: {  	[tilespmem:$0x1C170] =	vst v16  }
0x51: {  	[tilespmem:$0x1C180] =	vst v17  }
0x52: {  	[tilespmem:$0x1C190] =	vst v18  }
0x53: {  	[tilespmem:$0x1C1A0] =	vst v19  }
0x54: {  	[tilespmem:$0x1C1B0] =	vst v20  }
0x55: {  	[tilespmem:$0x1C1C0] =	vst v21  }
0x56: {  	[tilespmem:$0x1C1D0] =	vst v22  }
0x57: {  	[tilespmem:$0x1C1E0] =	vst v23  }
0x58: {  	[tilespmem:$0x1C1F0] =	vst v24  }
0x59: {  	[tilespmem:$0x1C200] =	vst v25  }
0x5a: {  	[tilespmem:$0x1C210] =	vst v26  }
0x5b: {  	[tilespmem:$0x1C220] =	vst v27  }
0x5c: {  	[tilespmem:$0x1C230] =	vst v28  }
0x5d: {  	[tilespmem:$0x1C240] =	vst v29  }
0x5e: {  	[tilespmem:$0x1C250] =	vst v30  }
0x5f: {  	[tilespmem:$0x1C260] =	vst v31  }
0x60: {  	s5 =	simm.s32 $0x1C2C0;
	[tilespmem:$0x1C270] =	vst v32  }
0x61: {  	[tilespmem:s5+$0xFFFFFFC0] =	vst v1  }
0x62: {  	[tilespmem:s5+$0x30] =	vst v1  }
0x63: {  	[tilespmem:s5+$0x20] =	vst v1  }
0x64: {  	[tilespmem:s5+$0x10] =	vst v1  }
0x65: {  	[tilespmem:s5+$0x0] =	vst v1  }
0x66: {  	[tilespmem:s5+$0xFFFFFFF0] =	vst v1  }
0x67: {  	s7 =	simm.s32 $0x0;
	[tilespmem:s5+$0xFFFFFFE0] =	vst v1  }
.LBB2_4:
0x68: {  	s7 =	sadd.s32 $0x8, s7;
	[tilespmem:s5+$0xFFFFFFD0] =	vst v1;
	s5 =	sadd.s32 $0x80, s5  }
0x69: {  	[tilespmem:s5+$0xFFFFFFC0] =	vst v1;
	p0 =	slt.u32 s7, $0xF8  }
0x6a: {  	[tilespmem:s5+$0x30] =	vst v1  }
.Ltmp1:
0x6b: {  	[tilespmem:s5+$0x20] =	vst v1;
	(pc) =	sbr.rel @p0 .LBB2_4-.Ltmp1, $4  }
0x6c: {  	[tilespmem:s5+$0x10] =	vst v1  }
0x6d: {  	[tilespmem:s5+$0x0] =	vst v1  }
0x6e: {  	[tilespmem:s5+$0xFFFFFFF0] =	vst v1  }
0x6f: {  	[tilespmem:s5+$0xFFFFFFE0] =	vst v1  }
0x70: {  	[tilespmem:s5+$0xFFFFFFD0] =	vst v1  }
0x71: {  	[spmem:s9] =	stream.linear.scatter [tilespmem:s17], [sflag:$0xD], $0x1000, $0x38;
	[tilespmem:$0x1E280] =	vst v63  }
0x72: {  	_ =	swait.ge [sflag:s10], $0x1000  }
0x73: {  	[sflag:s10] =	ssyncset.done $0x0  }
0x74: {  	s7 =	simm.s32 $0x0;
	[sflag:s10] =	ssyncadd.s32 $0xFFFFF000  }
.LBB2_6:
0x75: {  	_ =	swait.ge [sflag:s4], $0xFA0  }
0x76: {  	[sflag:s4] =	ssyncset.done $0x0  }
0x77: {  	[sflag:s4] =	ssyncadd.s32 $0xFFFFF060  }
0x78: {  	_ =	swait.ge [sflag:s26], $0xFA0  }
0x79: {  	[sflag:s26] =	ssyncset.done $0x0  }
0x7a: {  	[sflag:s26] =	ssyncadd.s32 $0xFFFFF060  }
0x7b: {  	_ =	swait.ge [sflag:s28], $0xFA0  }
0x7c: {  	s17 =	smul.u32 $0x2EE0, s7;
	[sflag:s28] =	ssyncset.done $0x0  }
0x7d: {  	[sflag:s28] =	ssyncadd.s32 $0xFFFFF060  }
0x7e: {  	s5 =	sadd.s32 s17, s18;
	_ =	swait.ge [sflag:s29], $0xFA0  }
0x7f: {  	s5 =	sshrl.u32 s5, $0x3;
	[sflag:s29] =	ssyncset.done $0x0  }
0x80: {  	s10 =	simm.s32 $0x2000;
	s9 =	sadd.s32 s0, s5;
	[sflag:s29] =	ssyncadd.s32 $0xFFFFF060  }
0x81: {  	[tilespmem:s10], [sflag:$0x9] =	stream.linear.gather [hbm4b:s9+s8], $0xFA0, $0x38;
	[tilespmem:$0x1E280] =	vst v63  }
0x82: {  	s9 =	sadd.s32 s1, s5;
	s10 =	simm.s32 $0x5000  }
0x83: {  	[tilespmem:s10], [sflag:$0xA] =	stream.linear.gather [hbm4b:s9+s8], $0xFA0, $0x38;
	[tilespmem:$0x1E280] =	vst v63  }
0x84: {  	s9 =	sadd.s32 s2, s5;
	s10 =	simm.s32 $0x8000  }
0x85: {  	[tilespmem:s10], [sflag:$0xB] =	stream.linear.gather [hbm4b:s9+s8], $0xFA0, $0x38;
	[tilespmem:$0x1E280] =	vst v63  }
0x86: {  	s5 =	sadd.s32 s3, s5;
	s10 =	simm.s32 $0xB000  }
0x87: {  	[tilespmem:s10], [sflag:$0xC] =	stream.linear.gather [hbm4b:s5+s8], $0xFA0, $0x38;
	[tilespmem:$0x1E280] =	vst v63  }
0x88: {  	s10 =	simm.s32 $0x20  }
0x89: {  	v34 =	vld [tilespmem:s10+$0x20]  }
0x8a: {  	v35 =	vld [tilespmem:s10+$0xFFFFFFF0]  }
0x8b: {  	v36 =	vld [tilespmem:s10+$0x0]  }
0x8c: {  	v37 =	vld [tilespmem:s10+$0x10]  }
0x8d: {  	s5 =	simm.s32 $0x6020;
	v38 =	vld [tilespmem:s10+$0xFFFFFFE0]  }
0x8e: {  	s9 =	simm.s32 $0x9020;
	v41 =	vld [tilespmem:s5+$0x20]  }
0x8f: {  	v57 =	vld [tilespmem:s9+$0x20]  }
0x90: {  	vm4 =	vlt.s32 v34, $0xC350  }
0x91: {  	v39 =	vadd.s32 $0xFFFF3CB0, v34;
	vm0 =	vlt.s32 v35, $0xC350;
	v40 =	vadd.s32 $0xFFFF3CB0, v35  }
0x92: {  	vm1 =	vlt.s32 v36, $0xC350;
	v56 =	vadd.s32 $0xFFFF3CB0, v36;
	vm2 =	vlt.s32 v37, $0xC350  }
0x93: {  	v43 =	vadd.s32 $0xFFFF3CB0, v37;
	vm3 =	vlt.s32 v38, $0xC350;
	v44 =	vadd.s32 $0xFFFF3CB0, v38  }
0x94: {  	vm5 =	vle.f32 v41, v33;
	vm6 =	vlt.f32 v33, v57;
	v34 =	vsel vm4, v34, v39  }
0x95: {  	v58 =	vld [tilespmem:s5+$0xFFFFFFE0];
	v35 =	vsel vm0, v35, v40;
	v38 =	vsel vm3, v38, v44;
	v36 =	vsel vm1, v36, v56  }
0x96: {  	v60 =	vld [tilespmem:s9+$0xFFFFFFE0];
	v37 =	vsel vm2, v37, v43;
	vm6 =	vmand vm5, vm6;
	v42 =	vmul.u32 $0xCCCD, v34  }
0x97: {  	v48 =	vld [tilespmem:s5+$0xFFFFFFF0];
	v34 =	vmul.u32 $0x1400, v34;
	v46 =	vmul.u32 $0xCCCD, v38;
	v61 =	vmul.u32 $0xCCCD, v35  }
0x98: {  	v63 =	vld [tilespmem:s5+$0x0];
	v47 =	vmul.u32 $0xCCCD, v36;
	v62 =	vmul.u32 $0xCCCD, v37;
	v38 =	vmul.u32 $0x1400, v38  }
0x99: {  	v49 =	vld [tilespmem:s9+$0x0];
	v35 =	vmul.u32 $0x1400, v35;
	v36 =	vmul.u32 $0x1400, v36;
	v37 =	vmul.u32 $0x1400, v37  }
0x9a: {  	v53 =	vld [tilespmem:s5+$0x10];
	v42 =	vshrl.u32 v42, $0x13;
	v46 =	vshrl.u32 v46, $0x13;
	v43 =	vshrl.u32 v61, $0x13  }
0x9b: {  	s10 =	simm.s32 $0x3020;
	v55 =	vld [tilespmem:s9+$0x10];
	v47 =	vshrl.u32 v47, $0x13;
	v45 =	vmul.u32 $0xFFFF3800, v42;
	v59 =	vmul.u32 $0xFFFF3800, v46  }
0x9c: {  	v50 =	vld [tilespmem:s10+$0x20];
	v41 =	vshrl.u32 v62, $0x13;
	v51 =	vmul.u32 $0xFFFF3800, v43;
	v52 =	vmul.u32 $0xFFFF3800, v47  }
0x9d: {  	v40 =	vld [tilespmem:s9+$0xFFFFFFF0];
	s9 =	simm.s32 $0x70;
	v54 =	vmul.u32 $0xFFFF3800, v41;
	v34 =	vadd.s32 v45, v34;
	v38 =	vadd.s32 v59, v38  }
0x9e: {  	v62 =	vld [tilespmem:s9+$0x20];
	v35 =	vadd.s32 v51, v35;
	v34 =	vadd.s32 $0x1400, v34;
	v38 =	vadd.s32 $0x1400, v38  }
0x9f: {  	s30 =	simm.s32 $0x9070;
	v35 =	vadd.s32 $0x1400, v35;
	v61 =	vsel vm3, $0x0, v38;
	vm3 =	vle.f32 v63, v33;
	v63 =	vld [tilespmem:s9+$0xFFFFFFF0]  }
0xa0: {  	v34 =	vsel vm4, $0x0, v34;
	v35 =	vsel vm0, $0x0, v35;
	vm0 =	vle.f32 v48, v33;
	v48 =	vld [tilespmem:s30+$0xFFFFFFE0]  }
0xa1: {  	vm5 =	vlt.f32 v33, v60;
	v36 =	vadd.s32 v52, v36;
	v34 =	vadd.s32 v42, v34;
	v42 =	vld [tilespmem:s9+$0x0]  }
0xa2: {  	v60 =	vadd.s32 v54, v37;
	v36 =	vadd.s32 $0x1400, v36;
	v37 =	vadd.s32 v46, v61;
	v61 =	vld [tilespmem:s30+$0x20]  }
0xa3: {  	vm7 =	vlt.f32 v33, v55;
	vm4 =	vle.f32 v58, v33;
	v36 =	vsel vm1, $0x0, v36  }
0xa4: {  	v39 =	vld [tilespmem:s10+$0xFFFFFFE0];
	vm1 =	vlt.f32 v33, v40;
	v57 =	vadd.s32 $0xFFFF3CB0, v62;
	vm5 =	vmand vm4, vm5  }
0xa5: {  	v55 =	vld [tilespmem:s9+$0xFFFFFFE0];
	vm4 =	vlt.f32 v33, v49;
	v58 =	vadd.s32 $0xFFFF3CB0, v63;
	vm15 =	vlt.f32 v33, v48  }
0xa6: {  	[tilespmem:v34+s11+$0x0] =	vst.idx.add.f32.msk vm6, v50;
	v34 =	vadd.s32 $0x1400, v60;
	vm6 =	vle.f32 v53, v33;
	v50 =	vadd.s32 v43, v35  }
0xa7: {  	v56 =	vld [tilespmem:s10+$0xFFFFFFF0];
	v53 =	vadd.s32 v47, v36;
	v59 =	vadd.s32 $0xFFFF3CB0, v42;
	vm9 =	vlt.f32 v33, v61  }
0xa8: {  	v44 =	vld [tilespmem:s30+$0x10];
	v34 =	vsel vm2, $0x0, v34;
	vm2 =	vmand vm0, vm1;
	vm1 =	vmand vm3, vm4  }
0xa9: {  	v36 =	vld [tilespmem:s9+$0x10];
	vm0 =	vmand vm6, vm7;
	vm3 =	vlt.s32 v62, $0xC350;
	vm4 =	vlt.s32 v63, $0xC350  }
0xaa: {  	s5 =	simm.s32 $0x6070;
	[tilespmem:v37+s11+$0x0] =	vst.idx.add.f32.msk vm5, v39;
	vm5 =	vlt.s32 v42, $0xC350;
	vm7 =	vlt.s32 v55, $0xC350;
	v34 =	vadd.s32 v41, v34  }
0xab: {  	v39 =	vld [tilespmem:s5+$0x20];
	vm0 =	vmmov vm0;
	v38 =	vsel vm3, v62, v57;
	v45 =	vsel vm4, v63, v58  }
0xac: {  	v52 =	vld [tilespmem:s10+$0x0];
	v62 =	vadd.s32 $0xFFFF3CB0, v55;
	v51 =	vsel vm5, v42, v59;
	v43 =	vmul.u32 $0xCCCD, v38  }
0xad: {  	v54 =	vld [tilespmem:s5+$0xFFFFFFF0];
	v47 =	vsel vm7, v55, v62;
	v38 =	vmul.u32 $0x1400, v38;
	v59 =	vmul.u32 $0xCCCD, v45  }
0xae: {  	v46 =	vld [tilespmem:s5+$0xFFFFFFE0];
	v49 =	vmul.u32 $0xCCCD, v47;
	v47 =	vmul.u32 $0x1400, v47;
	v43 =	vshrl.u32 v43, $0x13  }
0xaf: {  	s31 =	simm.s32 $0x3070;
	v35 =	vld [tilespmem:s10+$0x10];
	vm6 =	vlt.s32 v36, $0xC350;
	v60 =	vadd.s32 $0xFFFF3CB0, v36;
	v63 =	vmul.u32 $0xFFFF3800, v43  }
0xb0: {  	v37 =	vld [tilespmem:s31+$0xFFFFFFE0];
	v55 =	vsel vm6, v36, v60;
	v60 =	vmul.u32 $0xCCCD, v51;
	vm8 =	vle.f32 v39, v33  }
0xb1: {  	v57 =	vld [tilespmem:s30+$0xFFFFFFF0];
	v42 =	vshrl.u32 v49, $0x13;
	v39 =	vshrl.u32 v59, $0x13;
	v51 =	vmul.u32 $0x1400, v51  }
0xb2: {  	v36 =	vld [tilespmem:s5+$0x0];
	v62 =	vmul.u32 $0xCCCD, v55;
	vm8 =	vmand vm8, vm9;
	v59 =	vmul.u32 $0xFFFF3800, v42  }
0xb3: {  	v55 =	vmul.u32 $0x1400, v55;
	[tilespmem:v50+s11+$0x0] =	vst.idx.add.f32.msk vm2, v56;
	vm2 =	vle.f32 v54, v33;
	v38 =	vadd.s32 v63, v38  }
0xb4: {  	v49 =	vld [tilespmem:s31+$0x20];
	v40 =	vshrl.u32 v60, $0x13;
	v60 =	vmul.u32 $0xFFFF3800, v39;
	v61 =	vadd.s32 $0x1400, v38  }
0xb5: {  	v38 =	vld [tilespmem:s30+$0x0];
	v41 =	vshrl.u32 v62, $0x13;
	v63 =	vsel vm3, $0x0, v61;
	v61 =	vmul.u32 $0xFFFF3800, v40  }
0xb6: {  	v62 =	vmul.u32 $0xFFFF3800, v41;
	v58 =	vadd.s32 v43, v63;
	v43 =	vld [tilespmem:s5+$0x10];
	v63 =	vmul.u32 $0x1400, v45  }
0xb7: {  	v47 =	vadd.s32 v59, v47;
	vm3 =	vle.f32 v46, v33;
	v45 =	vld [tilespmem:s31+$0xFFFFFFF0];
	v51 =	vadd.s32 v61, v51  }
0xb8: {  	v55 =	vadd.s32 v62, v55;
	v59 =	vadd.s32 v60, v63;
	v60 =	vadd.s32 $0x1400, v47;
	v47 =	vld [tilespmem:s31+$0x0]  }
0xb9: {  	[tilespmem:v53+s11+$0x0] =	vst.idx.add.f32.msk vm1, v52;
	vm3 =	vmand vm3, vm15;
	v63 =	vadd.s32 $0x1400, v51;
	v55 =	vadd.s32 $0x1400, v55  }
0xba: {  	v46 =	vld [tilespmem:s31+$0x10];
	v48 =	vadd.s32 $0x1400, v59;
	v51 =	vsel vm7, $0x0, v60;
	v50 =	vsel vm6, $0x0, v55  }
0xbb: {  	s9 =	simm.s32 $0x5;
	s10 =	simm.s32 $0xC0;
	[tilespmem:v58+s11+$0x0] =	vst.idx.add.f32.msk vm8, v49;
	v49 =	vsel vm4, $0x0, v48;
	v48 =	vsel vm5, $0x0, v63;
	vm4 =	vlt.f32 v33, v57  }
.LBB2_7:
0xbc: {  	v52 =	vld [tilespmem:s10+$0x20];
	s9 =	sadd.s32 $0x5, s9;
	vm1 =	vle.f32 v36, v33;
	vm5 =	vlt.f32 v33, v38;
	vm6 =	vle.f32 v43, v33;
	v53 =	vmovc v45  }
0xbd: {  	v38 =	vadd.s32 v42, v51;
	v54 =	vadd.s32 v39, v49;
	vm7 =	vlt.f32 v33, v44;
	v36 =	vld [tilespmem:s10+$0xFFFFFFF0];
	p0 =	slt.u32 s9, $0xF5;
	v55 =	vmovc v47  }
0xbe: {  	vm2 =	vmand vm2, vm4;
	v56 =	vadd.s32 v40, v48;
	v40 =	vadd.s32 v41, v50;
	v39 =	vld [tilespmem:s10+$0x0]  }
0xbf: {  	vm1 =	vmand vm1, vm5;
	vm4 =	vmand vm6, vm7;
	v41 =	vld [tilespmem:s10+$0x10]  }
0xc0: {  	v42 =	vld [tilespmem:s10+$0xFFFFFFE0]  }
0xc1: {  	vm8 =	vlt.s32 v52, $0xC350;
	v43 =	vadd.s32 $0xFFFF3CB0, v52;
	[tilespmem:v34+s11+$0x0] =	vst.idx.add.f32.msk vm0, v35;
	v34 =	vmovc v40;
	v35 =	vmovc v46;
	vm0 =	vmmov vm4  }
0xc2: {  	s5 =	sadd.s32 $0x50, s5;
	vm4 =	vlt.s32 v36, $0xC350;
	v40 =	vadd.s32 $0xFFFF3CB0, v36;
	v43 =	vsel vm8, v52, v43;
	[tilespmem:v38+s11+$0x0] =	vst.idx.add.f32.msk vm3, v37  }
0xc3: {  	s30 =	sadd.s32 $0x50, s30;
	vm5 =	vlt.s32 v39, $0xC350;
	v37 =	vadd.s32 $0xFFFF3CB0, v39;
	v38 =	vld [tilespmem:s5+$0x20];
	v44 =	vmul.u32 $0xCCCD, v43  }
0xc4: {  	v45 =	vsel vm4, v36, v40;
	vm6 =	vlt.s32 v41, $0xC350;
	v36 =	vadd.s32 $0xFFFF3CB0, v41;
	v40 =	vld [tilespmem:s30+$0x20]  }
0xc5: {  	v46 =	vld [tilespmem:s5+$0xFFFFFFE0];
	vm7 =	vlt.s32 v42, $0xC350;
	v47 =	vadd.s32 $0xFFFF3CB0, v42;
	v44 =	vshrl.u32 v44, $0x13  }
0xc6: {  	v48 =	vld [tilespmem:s30+$0xFFFFFFE0];
	v47 =	vsel vm7, v42, v47;
	v42 =	vmul.u32 $0x1400, v43;
	v43 =	vmul.u32 $0xFFFF3800, v44  }
0xc7: {  	v51 =	vsel vm5, v39, v37;
	v52 =	vsel vm6, v41, v36;
	v49 =	vmul.u32 $0xCCCD, v47;
	v50 =	vld [tilespmem:s5+$0xFFFFFFF0]  }
0xc8: {  	v37 =	vmul.u32 $0xCCCD, v45;
	v41 =	vmul.u32 $0xCCCD, v51;
	v57 =	vld [tilespmem:s30+$0xFFFFFFF0];
	v39 =	vadd.s32 v43, v42  }
0xc9: {  	vm3 =	vle.f32 v38, v33;
	v36 =	vld [tilespmem:s5+$0x0];
	vm9 =	vlt.f32 v33, v40;
	v39 =	vadd.s32 $0x1400, v39  }
0xca: {  	s31 =	sadd.s32 $0x50, s31;
	v58 =	vmul.u32 $0xCCCD, v52;
	v38 =	vld [tilespmem:s30+$0x0];
	vm9 =	vmand vm3, vm9;
	v40 =	vsel vm8, $0x0, v39  }
0xcb: {  	v42 =	vshrl.u32 v49, $0x13;
	v39 =	vshrl.u32 v37, $0x13;
	v49 =	vld [tilespmem:s31+$0x20];
	v59 =	vadd.s32 v44, v40  }
0xcc: {  	v60 =	vmul.u32 $0xFFFF3800, v42;
	v40 =	vshrl.u32 v41, $0x13;
	v41 =	vshrl.u32 v58, $0x13;
	v43 =	vld [tilespmem:s5+$0x10]  }
0xcd: {  	v58 =	vmul.u32 $0xFFFF3800, v39;
	v61 =	vmul.u32 $0xFFFF3800, v40;
	v62 =	vmul.u32 $0xFFFF3800, v41;
	v44 =	vld [tilespmem:s30+$0x10]  }
0xce: {  	v63 =	vmul.u32 $0x1400, v45;
	v51 =	vmul.u32 $0x1400, v51;
	v47 =	vmul.u32 $0x1400, v47;
	v37 =	vld [tilespmem:s31+$0xFFFFFFE0]  }
0xcf: {  	vm3 =	vle.f32 v46, v33;
	v46 =	vmul.u32 $0x1400, v52;
	vm8 =	vlt.f32 v33, v48;
	v45 =	vld [tilespmem:s31+$0xFFFFFFF0]  }
.Ltmp2:
0xd0: {  	vm3 =	vmand vm3, vm8;
	v47 =	vadd.s32 v60, v47;
	v48 =	vadd.s32 v58, v63;
	[tilespmem:v59+s11+$0x0] =	vst.idx.add.f32.msk vm9, v49;
	(pc) =	sbr.rel @p0 .LBB2_7-.Ltmp2, $4  }
0xd1: {  	v51 =	vadd.s32 v61, v51;
	v52 =	vadd.s32 v62, v46;
	v49 =	vadd.s32 $0x1400, v47;
	v47 =	vld [tilespmem:s31+$0x0]  }
0xd2: {  	v48 =	vadd.s32 $0x1400, v48;
	v58 =	vadd.s32 $0x1400, v51;
	v52 =	vadd.s32 $0x1400, v52;
	v46 =	vld [tilespmem:s31+$0x10]  }
0xd3: {  	v51 =	vsel vm7, $0x0, v49;
	v49 =	vsel vm4, $0x0, v48;
	v48 =	vsel vm5, $0x0, v58;
	[tilespmem:v54+s11+$0x0] =	vst.idx.add.f32.msk vm2, v53  }
0xd4: {  	s10 =	sadd.s32 $0x50, s10;
	vm4 =	vlt.f32 v33, v57;
	vm2 =	vle.f32 v50, v33;
	v50 =	vsel vm6, $0x0, v52;
	[tilespmem:v56+s11+$0x0] =	vst.idx.add.f32.msk vm1, v55  }
0xd5: {  	vm1 =	vle.f32 v36, v33;
	vm5 =	vlt.f32 v33, v38;
	vm6 =	vle.f32 v43, v33  }
0xd6: {  	v51 =	vadd.s32 v42, v51;
	vm7 =	vlt.f32 v33, v44;
	vm2 =	vmand vm2, vm4  }
0xd7: {  	v52 =	vadd.s32 v39, v49;
	vm1 =	vmand vm1, vm5;
	vm4 =	vmand vm6, vm7  }
0xd8: {  	v53 =	vadd.s32 v40, v48;
	vm4 =	vmmov vm4  }
0xd9: {  	v54 =	vadd.s32 v41, v50  }
0xda: {  	[tilespmem:v34+s11+$0x0] =	vst.idx.add.f32.msk vm0, v35  }
0xdb: {  	[tilespmem:v51+s11+$0x0] =	vst.idx.add.f32.msk vm3, v37  }
0xdc: {  	[tilespmem:v52+s11+$0x0] =	vst.idx.add.f32.msk vm2, v45  }
0xdd: {  	[tilespmem:v53+s11+$0x0] =	vst.idx.add.f32.msk vm1, v47  }
0xde: {  	[tilespmem:v54+s11+$0x0] =	vst.idx.add.f32.msk vm4, v46  }
0xdf: {  	_ =	swait.ge [sflag:s12], $0xFA0  }
0xe0: {  	[sflag:s12] =	ssyncset.done $0x0  }
0xe1: {  	[sflag:s12] =	ssyncadd.s32 $0xFFFFF060  }
0xe2: {  	_ =	swait.ge [sflag:s13], $0xFA0  }
0xe3: {  	[sflag:s13] =	ssyncset.done $0x0  }
0xe4: {  	[sflag:s13] =	ssyncadd.s32 $0xFFFFF060  }
0xe5: {  	_ =	swait.ge [sflag:s14], $0xFA0  }
0xe6: {  	[sflag:s14] =	ssyncset.done $0x0  }
0xe7: {  	[sflag:s14] =	ssyncadd.s32 $0xFFFFF060  }
0xe8: {  	s5 =	sadd.s32 s17, s19;
	_ =	swait.ge [sflag:s15], $0xFA0  }
0xe9: {  	s5 =	sshrl.u32 s5, $0x3;
	[sflag:s15] =	ssyncset.done $0x0  }
0xea: {  	s9 =	sadd.s32 s0, s5;
	[sflag:s15] =	ssyncadd.s32 $0xFFFFF060  }
0xeb: {  	[tilespmem:s8], [sflag:$0x1] =	stream.linear.gather [hbm4b:s9+s8], $0xFA0, $0x38;
	[tilespmem:$0x1E280] =	vst v63  }
0xec: {  	s10 =	sadd.s32 s1, s5  }
0xed: {  	[tilespmem:s23], [sflag:$0x2] =	stream.linear.gather [hbm4b:s10+s8], $0xFA0, $0x38;
	[tilespmem:$0x1E280] =	vst v63  }
0xee: {  	s10 =	sadd.s32 s2, s5  }
0xef: {  	[tilespmem:s24], [sflag:$0x3] =	stream.linear.gather [hbm4b:s10+s8], $0xFA0, $0x38;
	[tilespmem:$0x1E280] =	vst v63  }
0xf0: {  	s5 =	sadd.s32 s3, s5;
	s10 =	simm.s32 $0x1020  }
0xf1: {  	[tilespmem:s25], [sflag:$0x4] =	stream.linear.gather [hbm4b:s5+s8], $0xFA0, $0x38;
	[tilespmem:$0x1E280] =	vst v63  }
0xf2: {  	v55 =	vld [tilespmem:s10+$0x20]  }
0xf3: {  	v56 =	vld [tilespmem:s10+$0xFFFFFFF0]  }
0xf4: {  	v57 =	vld [tilespmem:s10+$0x0]  }
0xf5: {  	v58 =	vld [tilespmem:s10+$0x10]  }
0xf6: {  	s5 =	simm.s32 $0x7020;
	v59 =	vld [tilespmem:s10+$0xFFFFFFE0]  }
0xf7: {  	s9 =	simm.s32 $0xA020;
	v63 =	vld [tilespmem:s5+$0x20]  }
0xf8: {  	v52 =	vld [tilespmem:s9+$0x20]  }
0xf9: {  	vm4 =	vlt.s32 v55, $0xC350;
	v60 =	vadd.s32 $0xFFFF3CB0, v55  }
0xfa: {  	vm0 =	vlt.s32 v56, $0xC350;
	v61 =	vadd.s32 $0xFFFF3CB0, v56;
	vm1 =	vlt.s32 v57, $0xC350  }
0xfb: {  	v62 =	vadd.s32 $0xFFFF3CB0, v57;
	vm2 =	vlt.s32 v58, $0xC350;
	v53 =	vadd.s32 $0xFFFF3CB0, v58  }
0xfc: {  	vm3 =	vlt.s32 v59, $0xC350;
	v54 =	vadd.s32 $0xFFFF3CB0, v59;
	vm5 =	vle.f32 v63, v33  }
0xfd: {  	vm6 =	vlt.f32 v33, v52;
	v34 =	vsel vm4, v55, v60;
	v35 =	vsel vm0, v56, v61  }
0xfe: {  	v44 =	vld [tilespmem:s5+$0xFFFFFFE0];
	v38 =	vsel vm3, v59, v54;
	v36 =	vsel vm1, v57, v62;
	v37 =	vsel vm2, v58, v53  }
0xff: {  	v48 =	vld [tilespmem:s5+$0xFFFFFFF0];
	vm6 =	vmand vm5, vm6;
	v51 =	vmul.u32 $0xCCCD, v34;
	v34 =	vmul.u32 $0x1400, v34  }
0x100: {  	v40 =	vld [tilespmem:s9+$0xFFFFFFF0];
	v56 =	vmul.u32 $0xCCCD, v38;
	v58 =	vmul.u32 $0xCCCD, v35;
	v59 =	vmul.u32 $0xCCCD, v36  }
0x101: {  	v57 =	vld [tilespmem:s9+$0xFFFFFFE0];
	v60 =	vmul.u32 $0xCCCD, v37;
	v38 =	vmul.u32 $0x1400, v38;
	v35 =	vmul.u32 $0x1400, v35  }
0x102: {  	v45 =	vld [tilespmem:s5+$0x0];
	v36 =	vmul.u32 $0x1400, v36;
	v37 =	vmul.u32 $0x1400, v37;
	v42 =	vshrl.u32 v51, $0x13  }
0x103: {  	s10 =	simm.s32 $0x4020;
	v49 =	vld [tilespmem:s9+$0x0];
	v46 =	vshrl.u32 v56, $0x13;
	v43 =	vshrl.u32 v58, $0x13;
	v55 =	vmul.u32 $0xFFFF3800, v42  }
0x104: {  	v39 =	vld [tilespmem:s10+$0xFFFFFFE0];
	v47 =	vshrl.u32 v59, $0x13;
	v41 =	vshrl.u32 v60, $0x13;
	v61 =	vmul.u32 $0xFFFF3800, v46  }
0x105: {  	v62 =	vld [tilespmem:s10+$0x20];
	v63 =	vmul.u32 $0xFFFF3800, v43;
	v52 =	vmul.u32 $0xFFFF3800, v47;
	v34 =	vadd.s32 v55, v34  }
0x106: {  	v53 =	vld [tilespmem:s5+$0x10];
	v54 =	vmul.u32 $0xFFFF3800, v41;
	vm5 =	vlt.f32 v33, v57;
	v34 =	vadd.s32 $0x1400, v34  }
0x107: {  	v55 =	vld [tilespmem:s9+$0x10];
	v38 =	vadd.s32 v61, v38;
	v35 =	vadd.s32 v63, v35;
	s9 =	simm.s32 $0x1070;
	v34 =	vsel vm4, $0x0, v34  }
0x108: {  	s30 =	simm.s32 $0xA070;
	v38 =	vadd.s32 $0x1400, v38;
	v35 =	vadd.s32 $0x1400, v35;
	v63 =	vld [tilespmem:s9+$0xFFFFFFF0];
	v34 =	vadd.s32 v42, v34  }
0x109: {  	vm4 =	vle.f32 v44, v33;
	v35 =	vsel vm0, $0x0, v35;
	vm0 =	vle.f32 v48, v33;
	v48 =	vld [tilespmem:s30+$0xFFFFFFE0]  }
0x10a: {  	v36 =	vadd.s32 v52, v36;
	v61 =	vsel vm3, $0x0, v38;
	vm5 =	vmand vm4, vm5;
	v42 =	vld [tilespmem:s9+$0x0]  }
0x10b: {  	v60 =	vadd.s32 v54, v37;
	v36 =	vadd.s32 $0x1400, v36;
	v37 =	vadd.s32 v46, v61;
	v61 =	vld [tilespmem:s30+$0x20]  }
0x10c: {  	v36 =	vsel vm1, $0x0, v36;
	vm1 =	vlt.f32 v33, v40;
	vm7 =	vlt.f32 v33, v55;
	v55 =	vld [tilespmem:s9+$0xFFFFFFE0]  }
0x10d: {  	vm3 =	vle.f32 v45, v33;
	vm4 =	vlt.f32 v33, v49;
	[tilespmem:v34+s11+$0x0] =	vst.idx.add.f32.msk vm6, v62  }
0x10e: {  	v50 =	vadd.s32 v43, v35;
	v58 =	vadd.s32 $0xFFFF3CB0, v63;
	vm15 =	vlt.f32 v33, v48;
	v62 =	vld [tilespmem:s9+$0x20]  }
0x10f: {  	v34 =	vadd.s32 $0x1400, v60;
	vm6 =	vle.f32 v53, v33;
	v53 =	vadd.s32 v47, v36;
	v36 =	vld [tilespmem:s9+$0x10]  }
0x110: {  	s5 =	simm.s32 $0x7070;
	v59 =	vadd.s32 $0xFFFF3CB0, v42;
	vm9 =	vlt.f32 v33, v61;
	v34 =	vsel vm2, $0x0, v34;
	[tilespmem:v37+s11+$0x0] =	vst.idx.add.f32.msk vm5, v39  }
0x111: {  	vm2 =	vmand vm0, vm1;
	vm1 =	vmand vm3, vm4;
	vm0 =	vmand vm6, vm7;
	v39 =	vld [tilespmem:s5+$0x20]  }
0x112: {  	vm4 =	vlt.s32 v63, $0xC350;
	vm5 =	vlt.s32 v42, $0xC350;
	v34 =	vadd.s32 v41, v34  }
0x113: {  	v56 =	vld [tilespmem:s10+$0xFFFFFFF0];
	vm0 =	vmmov vm0;
	v45 =	vsel vm4, v63, v58;
	vm7 =	vlt.s32 v55, $0xC350  }
0x114: {  	v52 =	vld [tilespmem:s10+$0x0];
	v51 =	vsel vm5, v42, v59;
	v59 =	vmul.u32 $0xCCCD, v45;
	vm3 =	vlt.s32 v62, $0xC350  }
0x115: {  	v54 =	vld [tilespmem:s5+$0xFFFFFFF0];
	v57 =	vadd.s32 $0xFFFF3CB0, v62;
	vm6 =	vlt.s32 v36, $0xC350;
	v60 =	vadd.s32 $0xFFFF3CB0, v36  }
0x116: {  	v44 =	vld [tilespmem:s30+$0x10];
	v38 =	vsel vm3, v62, v57;
	v62 =	vadd.s32 $0xFFFF3CB0, v55;
	vm8 =	vle.f32 v39, v33  }
0x117: {  	v35 =	vld [tilespmem:s10+$0x10];
	v39 =	vshrl.u32 v59, $0x13;
	v43 =	vmul.u32 $0xCCCD, v38;
	v47 =	vsel vm7, v55, v62  }
0x118: {  	s31 =	simm.s32 $0x4070;
	v46 =	vld [tilespmem:s5+$0xFFFFFFE0];
	v38 =	vmul.u32 $0x1400, v38;
	v55 =	vsel vm6, v36, v60;
	v60 =	vmul.u32 $0xCCCD, v51  }
0x119: {  	v37 =	vld [tilespmem:s31+$0xFFFFFFE0];
	vm8 =	vmand vm8, vm9;
	v51 =	vmul.u32 $0x1400, v51;
	v43 =	vshrl.u32 v43, $0x13  }
0x11a: {  	[tilespmem:v50+s11+$0x0] =	vst.idx.add.f32.msk vm2, v56;
	vm2 =	vle.f32 v54, v33;
	v49 =	vmul.u32 $0xCCCD, v47;
	v63 =	vmul.u32 $0xFFFF3800, v43  }
0x11b: {  	v57 =	vld [tilespmem:s30+$0xFFFFFFF0];
	v62 =	vmul.u32 $0xCCCD, v55;
	v47 =	vmul.u32 $0x1400, v47;
	v55 =	vmul.u32 $0x1400, v55  }
0x11c: {  	v36 =	vld [tilespmem:s5+$0x0];
	v40 =	vshrl.u32 v60, $0x13;
	v42 =	vshrl.u32 v49, $0x13;
	v38 =	vadd.s32 v63, v38  }
0x11d: {  	v49 =	vld [tilespmem:s31+$0x20];
	v41 =	vshrl.u32 v62, $0x13;
	v59 =	vmul.u32 $0xFFFF3800, v42;
	v61 =	vadd.s32 $0x1400, v38  }
0x11e: {  	v60 =	vmul.u32 $0xFFFF3800, v39;
	v62 =	vmul.u32 $0xFFFF3800, v41;
	v38 =	vld [tilespmem:s30+$0x0];
	v63 =	vsel vm3, $0x0, v61  }
0x11f: {  	v47 =	vadd.s32 v59, v47;
	v58 =	vadd.s32 v43, v63;
	v43 =	vld [tilespmem:s5+$0x10];
	v63 =	vmul.u32 $0x1400, v45  }
0x120: {  	v55 =	vadd.s32 v62, v55;
	v61 =	vmul.u32 $0xFFFF3800, v40;
	vm3 =	vle.f32 v46, v33;
	v45 =	vld [tilespmem:s31+$0xFFFFFFF0]  }
0x121: {  	v55 =	vadd.s32 $0x1400, v55;
	v59 =	vadd.s32 v60, v63;
	v60 =	vadd.s32 $0x1400, v47;
	v47 =	vld [tilespmem:s31+$0x0]  }
0x122: {  	[tilespmem:v53+s11+$0x0] =	vst.idx.add.f32.msk vm1, v52;
	vm3 =	vmand vm3, vm15;
	v50 =	vsel vm6, $0x0, v55;
	v51 =	vadd.s32 v61, v51  }
0x123: {  	v46 =	vld [tilespmem:s31+$0x10];
	v63 =	vadd.s32 $0x1400, v51;
	v48 =	vadd.s32 $0x1400, v59;
	v51 =	vsel vm7, $0x0, v60  }
0x124: {  	s10 =	simm.s32 $0x10C0;
	s9 =	simm.s32 $0x5;
	[tilespmem:v58+s11+$0x0] =	vst.idx.add.f32.msk vm8, v49;
	v49 =	vsel vm4, $0x0, v48;
	v48 =	vsel vm5, $0x0, v63;
	vm4 =	vlt.f32 v33, v57  }
.LBB2_9:
0x125: {  	v52 =	vld [tilespmem:s10+$0x20];
	s9 =	sadd.s32 $0x5, s9;
	vm1 =	vle.f32 v36, v33;
	vm5 =	vlt.f32 v33, v38;
	vm6 =	vle.f32 v43, v33;
	v53 =	vmovc v45  }
0x126: {  	v38 =	vadd.s32 v42, v51;
	v54 =	vadd.s32 v39, v49;
	vm7 =	vlt.f32 v33, v44;
	v36 =	vld [tilespmem:s10+$0xFFFFFFF0];
	p0 =	slt.u32 s9, $0xF5;
	v55 =	vmovc v47  }
0x127: {  	vm2 =	vmand vm2, vm4;
	v56 =	vadd.s32 v40, v48;
	v40 =	vadd.s32 v41, v50;
	v39 =	vld [tilespmem:s10+$0x0]  }
0x128: {  	vm1 =	vmand vm1, vm5;
	vm4 =	vmand vm6, vm7;
	v41 =	vld [tilespmem:s10+$0x10]  }
0x129: {  	v42 =	vld [tilespmem:s10+$0xFFFFFFE0]  }
0x12a: {  	vm8 =	vlt.s32 v52, $0xC350;
	v43 =	vadd.s32 $0xFFFF3CB0, v52;
	[tilespmem:v34+s11+$0x0] =	vst.idx.add.f32.msk vm0, v35;
	v34 =	vmovc v40;
	v35 =	vmovc v46;
	vm0 =	vmmov vm4  }
0x12b: {  	s5 =	sadd.s32 $0x50, s5;
	vm4 =	vlt.s32 v36, $0xC350;
	v40 =	vadd.s32 $0xFFFF3CB0, v36;
	v43 =	vsel vm8, v52, v43;
	[tilespmem:v38+s11+$0x0] =	vst.idx.add.f32.msk vm3, v37  }
0x12c: {  	s30 =	sadd.s32 $0x50, s30;
	vm5 =	vlt.s32 v39, $0xC350;
	v37 =	vadd.s32 $0xFFFF3CB0, v39;
	v38 =	vld [tilespmem:s5+$0x20];
	v44 =	vmul.u32 $0xCCCD, v43  }
0x12d: {  	v45 =	vsel vm4, v36, v40;
	vm6 =	vlt.s32 v41, $0xC350;
	v36 =	vadd.s32 $0xFFFF3CB0, v41;
	v40 =	vld [tilespmem:s30+$0x20]  }
0x12e: {  	v46 =	vld [tilespmem:s5+$0xFFFFFFE0];
	vm7 =	vlt.s32 v42, $0xC350;
	v47 =	vadd.s32 $0xFFFF3CB0, v42;
	v44 =	vshrl.u32 v44, $0x13  }
0x12f: {  	v48 =	vld [tilespmem:s30+$0xFFFFFFE0];
	v47 =	vsel vm7, v42, v47;
	v42 =	vmul.u32 $0x1400, v43;
	v43 =	vmul.u32 $0xFFFF3800, v44  }
0x130: {  	v51 =	vsel vm5, v39, v37;
	v52 =	vsel vm6, v41, v36;
	v49 =	vmul.u32 $0xCCCD, v47;
	v50 =	vld [tilespmem:s5+$0xFFFFFFF0]  }
0x131: {  	v37 =	vmul.u32 $0xCCCD, v45;
	v41 =	vmul.u32 $0xCCCD, v51;
	v57 =	vld [tilespmem:s30+$0xFFFFFFF0];
	v39 =	vadd.s32 v43, v42  }
0x132: {  	vm3 =	vle.f32 v38, v33;
	v36 =	vld [tilespmem:s5+$0x0];
	vm9 =	vlt.f32 v33, v40;
	v39 =	vadd.s32 $0x1400, v39  }
0x133: {  	s31 =	sadd.s32 $0x50, s31;
	v58 =	vmul.u32 $0xCCCD, v52;
	v38 =	vld [tilespmem:s30+$0x0];
	vm9 =	vmand vm3, vm9;
	v40 =	vsel vm8, $0x0, v39  }
0x134: {  	v42 =	vshrl.u32 v49, $0x13;
	v39 =	vshrl.u32 v37, $0x13;
	v49 =	vld [tilespmem:s31+$0x20];
	v59 =	vadd.s32 v44, v40  }
0x135: {  	v60 =	vmul.u32 $0xFFFF3800, v42;
	v40 =	vshrl.u32 v41, $0x13;
	v41 =	vshrl.u32 v58, $0x13;
	v43 =	vld [tilespmem:s5+$0x10]  }
0x136: {  	v58 =	vmul.u32 $0xFFFF3800, v39;
	v61 =	vmul.u32 $0xFFFF3800, v40;
	v62 =	vmul.u32 $0xFFFF3800, v41;
	v44 =	vld [tilespmem:s30+$0x10]  }
0x137: {  	v63 =	vmul.u32 $0x1400, v45;
	v51 =	vmul.u32 $0x1400, v51;
	v47 =	vmul.u32 $0x1400, v47;
	v37 =	vld [tilespmem:s31+$0xFFFFFFE0]  }
0x138: {  	vm3 =	vle.f32 v46, v33;
	v46 =	vmul.u32 $0x1400, v52;
	vm8 =	vlt.f32 v33, v48;
	v45 =	vld [tilespmem:s31+$0xFFFFFFF0]  }
.Ltmp3:
0x139: {  	vm3 =	vmand vm3, vm8;
	v47 =	vadd.s32 v60, v47;
	v48 =	vadd.s32 v58, v63;
	[tilespmem:v59+s11+$0x0] =	vst.idx.add.f32.msk vm9, v49;
	(pc) =	sbr.rel @p0 .LBB2_9-.Ltmp3, $4  }
0x13a: {  	v51 =	vadd.s32 v61, v51;
	v52 =	vadd.s32 v62, v46;
	v49 =	vadd.s32 $0x1400, v47;
	v47 =	vld [tilespmem:s31+$0x0]  }
0x13b: {  	v48 =	vadd.s32 $0x1400, v48;
	v58 =	vadd.s32 $0x1400, v51;
	v52 =	vadd.s32 $0x1400, v52;
	v46 =	vld [tilespmem:s31+$0x10]  }
0x13c: {  	v51 =	vsel vm7, $0x0, v49;
	v49 =	vsel vm4, $0x0, v48;
	v48 =	vsel vm5, $0x0, v58;
	[tilespmem:v54+s11+$0x0] =	vst.idx.add.f32.msk vm2, v53  }
0x13d: {  	s10 =	sadd.s32 $0x50, s10;
	vm4 =	vlt.f32 v33, v57;
	vm2 =	vle.f32 v50, v33;
	v50 =	vsel vm6, $0x0, v52;
	[tilespmem:v56+s11+$0x0] =	vst.idx.add.f32.msk vm1, v55  }
0x13e: {  	vm1 =	vle.f32 v36, v33;
	vm5 =	vlt.f32 v33, v38;
	vm6 =	vle.f32 v43, v33  }
0x13f: {  	v51 =	vadd.s32 v42, v51;
	vm7 =	vlt.f32 v33, v44;
	vm2 =	vmand vm2, vm4  }
0x140: {  	v52 =	vadd.s32 v39, v49;
	vm1 =	vmand vm1, vm5;
	vm4 =	vmand vm6, vm7  }
0x141: {  	v53 =	vadd.s32 v40, v48;
	vm4 =	vmmov vm4  }
0x142: {  	v54 =	vadd.s32 v41, v50  }
0x143: {  	[tilespmem:v34+s11+$0x0] =	vst.idx.add.f32.msk vm0, v35  }
0x144: {  	[tilespmem:v51+s11+$0x0] =	vst.idx.add.f32.msk vm3, v37  }
0x145: {  	[tilespmem:v52+s11+$0x0] =	vst.idx.add.f32.msk vm2, v45  }
0x146: {  	[tilespmem:v53+s11+$0x0] =	vst.idx.add.f32.msk vm1, v47  }
0x147: {  	[tilespmem:v54+s11+$0x0] =	vst.idx.add.f32.msk vm4, v46  }
0x148: {  	_ =	swait.ge [sflag:s16], $0xFA0  }
0x149: {  	[sflag:s16] =	ssyncset.done $0x0  }
0x14a: {  	[sflag:s16] =	ssyncadd.s32 $0xFFFFF060  }
0x14b: {  	_ =	swait.ge [sflag:s21], $0xFA0  }
0x14c: {  	[sflag:s21] =	ssyncset.done $0x0  }
0x14d: {  	[sflag:s21] =	ssyncadd.s32 $0xFFFFF060  }
0x14e: {  	_ =	swait.ge [sflag:s22], $0xFA0  }
0x14f: {  	[sflag:s22] =	ssyncset.done $0x0  }
0x150: {  	p0 =	seq.s32 s7, $0x7;
	[sflag:s22] =	ssyncadd.s32 $0xFFFFF060  }
0x151: {  	s5 =	sadd.s32 @!p0 s17, s20;
	_ =	swait.ge [sflag:s6], $0xFA0  }
0x152: {  	s10 =	simm.s32 @!p0 $0x0;
	s5 =	sshrl.u32 @!p0 s5, $0x3;
	[sflag:s6] =	ssyncset.done $0x0  }
0x153: {  	s17 =	simm.s32 @!p0 $0x1000;
	s9 =	sadd.s32 @!p0 s0, s5;
	[sflag:s6] =	ssyncadd.s32 $0xFFFFF060  }
0x154: {  	[tilespmem:s17], [sflag:$0x5] =	stream.linear.gather @!p0 [hbm4b:s9+s10], $0xFA0, $0x38;
	[tilespmem:$0x1E280] =	vst v63  }
0x155: {  	s9 =	sadd.s32 @!p0 s1, s5;
	s17 =	simm.s32 @!p0 $0x4000  }
0x156: {  	[tilespmem:s17], [sflag:$0x6] =	stream.linear.gather @!p0 [hbm4b:s9+s10], $0xFA0, $0x38;
	[tilespmem:$0x1E280] =	vst v63  }
0x157: {  	s9 =	sadd.s32 @!p0 s2, s5;
	s17 =	simm.s32 @!p0 $0x7000  }
0x158: {  	[tilespmem:s17], [sflag:$0x7] =	stream.linear.gather @!p0 [hbm4b:s9+s10], $0xFA0, $0x38;
	[tilespmem:$0x1E280] =	vst v63  }
0x159: {  	s31 =	simm.s32 $0x2020;
	s5 =	sadd.s32 @!p0 s3, s5;
	s9 =	simm.s32 @!p0 $0xA000  }
0x15a: {  	[tilespmem:s9], [sflag:$0x8] =	stream.linear.gather @!p0 [hbm4b:s5+s10], $0xFA0, $0x38;
	[tilespmem:$0x1E280] =	vst v63  }
0x15b: {  	v55 =	vld [tilespmem:s31+$0x20]  }
0x15c: {  	v56 =	vld [tilespmem:s31+$0xFFFFFFF0]  }
0x15d: {  	v57 =	vld [tilespmem:s31+$0x0]  }
0x15e: {  	v58 =	vld [tilespmem:s31+$0x10]  }
0x15f: {  	s9 =	simm.s32 $0x8020;
	v59 =	vld [tilespmem:s31+$0xFFFFFFE0]  }
0x160: {  	s10 =	simm.s32 $0xB020;
	v63 =	vld [tilespmem:s9+$0x20]  }
0x161: {  	v52 =	vld [tilespmem:s10+$0x20]  }
0x162: {  	vm4 =	vlt.s32 v55, $0xC350;
	v60 =	vadd.s32 $0xFFFF3CB0, v55  }
0x163: {  	vm0 =	vlt.s32 v56, $0xC350;
	v61 =	vadd.s32 $0xFFFF3CB0, v56;
	vm1 =	vlt.s32 v57, $0xC350  }
0x164: {  	v62 =	vadd.s32 $0xFFFF3CB0, v57;
	vm2 =	vlt.s32 v58, $0xC350;
	v53 =	vadd.s32 $0xFFFF3CB0, v58  }
0x165: {  	v44 =	vld [tilespmem:s9+$0xFFFFFFE0];
	vm3 =	vlt.s32 v59, $0xC350;
	v54 =	vadd.s32 $0xFFFF3CB0, v59;
	vm5 =	vle.f32 v63, v33  }
0x166: {  	v48 =	vld [tilespmem:s9+$0xFFFFFFF0];
	vm6 =	vlt.f32 v33, v52;
	v34 =	vsel vm4, v55, v60;
	v35 =	vsel vm0, v56, v61  }
0x167: {  	v40 =	vld [tilespmem:s10+$0xFFFFFFF0];
	v38 =	vsel vm3, v59, v54;
	v36 =	vsel vm1, v57, v62;
	v37 =	vsel vm2, v58, v53  }
0x168: {  	v45 =	vld [tilespmem:s9+$0x0];
	vm6 =	vmand vm5, vm6;
	v51 =	vmul.u32 $0xCCCD, v34;
	v34 =	vmul.u32 $0x1400, v34  }
0x169: {  	v49 =	vld [tilespmem:s10+$0x0];
	v56 =	vmul.u32 $0xCCCD, v38;
	v58 =	vmul.u32 $0xCCCD, v35;
	v59 =	vmul.u32 $0xCCCD, v36  }
0x16a: {  	s17 =	simm.s32 $0x5020;
	v57 =	vld [tilespmem:s10+$0xFFFFFFE0];
	v60 =	vmul.u32 $0xCCCD, v37;
	v38 =	vmul.u32 $0x1400, v38;
	v35 =	vmul.u32 $0x1400, v35  }
0x16b: {  	v39 =	vld [tilespmem:s17+$0xFFFFFFE0];
	v36 =	vmul.u32 $0x1400, v36;
	v37 =	vmul.u32 $0x1400, v37;
	v42 =	vshrl.u32 v51, $0x13  }
0x16c: {  	v62 =	vld [tilespmem:s17+$0x20];
	v46 =	vshrl.u32 v56, $0x13;
	v43 =	vshrl.u32 v58, $0x13;
	v47 =	vshrl.u32 v59, $0x13  }
0x16d: {  	v53 =	vld [tilespmem:s9+$0x10];
	v41 =	vshrl.u32 v60, $0x13;
	v55 =	vmul.u32 $0xFFFF3800, v42;
	v61 =	vmul.u32 $0xFFFF3800, v46  }
0x16e: {  	v56 =	vld [tilespmem:s17+$0xFFFFFFF0];
	v63 =	vmul.u32 $0xFFFF3800, v43;
	v52 =	vmul.u32 $0xFFFF3800, v47;
	v54 =	vmul.u32 $0xFFFF3800, v41  }
0x16f: {  	vm5 =	vlt.f32 v33, v57;
	v34 =	vadd.s32 v55, v34;
	v55 =	vld [tilespmem:s10+$0x10];
	v38 =	vadd.s32 v61, v38  }
0x170: {  	s31 =	simm.s32 $0x2070;
	v35 =	vadd.s32 v63, v35;
	v36 =	vadd.s32 v52, v36;
	v52 =	vld [tilespmem:s17+$0x0];
	v34 =	vadd.s32 $0x1400, v34  }
0x171: {  	v60 =	vadd.s32 v54, v37;
	v63 =	vld [tilespmem:s31+$0xFFFFFFF0];
	v35 =	vadd.s32 $0x1400, v35;
	v34 =	vsel vm4, $0x0, v34  }
0x172: {  	v38 =	vadd.s32 $0x1400, v38;
	v35 =	vsel vm0, $0x0, v35;
	v34 =	vadd.s32 v42, v34;
	v42 =	vld [tilespmem:s31+$0x0]  }
0x173: {  	vm4 =	vle.f32 v44, v33;
	v61 =	vsel vm3, $0x0, v38;
	v50 =	vadd.s32 v43, v35;
	v35 =	vld [tilespmem:s17+$0x10];
	s17 =	simm.s32 $0xB070  }
0x174: {  	v36 =	vadd.s32 $0x1400, v36;
	vm5 =	vmand vm4, vm5;
	v37 =	vadd.s32 v46, v61;
	v61 =	vld [tilespmem:s17+$0x20]  }
0x175: {  	v36 =	vsel vm1, $0x0, v36;
	vm0 =	vle.f32 v48, v33;
	v48 =	vld [tilespmem:s17+$0xFFFFFFE0]  }
0x176: {  	vm1 =	vlt.f32 v33, v40;
	vm3 =	vle.f32 v45, v33;
	vm7 =	vlt.f32 v33, v55;
	v55 =	vld [tilespmem:s31+$0xFFFFFFE0]  }
0x177: {  	vm4 =	vlt.f32 v33, v49;
	v58 =	vadd.s32 $0xFFFF3CB0, v63;
	[tilespmem:v34+s11+$0x0] =	vst.idx.add.f32.msk vm6, v62;
	v34 =	vadd.s32 $0x1400, v60  }
0x178: {  	v62 =	vld [tilespmem:s31+$0x20];
	vm6 =	vle.f32 v53, v33;
	v53 =	vadd.s32 v47, v36;
	v59 =	vadd.s32 $0xFFFF3CB0, v42  }
0x179: {  	v36 =	vld [tilespmem:s31+$0x10];
	v34 =	vsel vm2, $0x0, v34;
	vm2 =	vmand vm0, vm1;
	vm1 =	vmand vm3, vm4  }
0x17a: {  	s5 =	simm.s32 $0x8070;
	vm0 =	vmand vm6, vm7;
	vm4 =	vlt.s32 v63, $0xC350;
	[tilespmem:v37+s11+$0x0] =	vst.idx.add.f32.msk vm5, v39;
	vm5 =	vlt.s32 v42, $0xC350  }
0x17b: {  	v39 =	vld [tilespmem:s5+$0x20];
	vm9 =	vlt.f32 v33, v61;
	vm15 =	vlt.f32 v33, v48;
	v34 =	vadd.s32 v41, v34  }
0x17c: {  	vm0 =	vmmov vm0;
	v45 =	vsel vm4, v63, v58;
	vm7 =	vlt.s32 v55, $0xC350  }
0x17d: {  	v51 =	vsel vm5, v42, v59;
	v59 =	vmul.u32 $0xCCCD, v45;
	v45 =	vmul.u32 $0x1400, v45  }
0x17e: {  	v54 =	vld [tilespmem:s5+$0xFFFFFFF0];
	vm3 =	vlt.s32 v62, $0xC350;
	v57 =	vadd.s32 $0xFFFF3CB0, v62;
	vm6 =	vlt.s32 v36, $0xC350  }
0x17f: {  	v60 =	vadd.s32 $0xFFFF3CB0, v36;
	v38 =	vsel vm3, v62, v57;
	v62 =	vadd.s32 $0xFFFF3CB0, v55  }
0x180: {  	v46 =	vld [tilespmem:s5+$0xFFFFFFE0];
	vm8 =	vle.f32 v39, v33;
	v39 =	vshrl.u32 v59, $0x13;
	v43 =	vmul.u32 $0xCCCD, v38  }
0x181: {  	s30 =	simm.s32 $0x5070;
	v44 =	vld [tilespmem:s17+$0x10];
	v47 =	vsel vm7, v55, v62;
	v38 =	vmul.u32 $0x1400, v38;
	v55 =	vsel vm6, v36, v60  }
0x182: {  	v37 =	vld [tilespmem:s30+$0xFFFFFFE0];
	v60 =	vmul.u32 $0xCCCD, v51;
	vm8 =	vmand vm8, vm9;
	v43 =	vshrl.u32 v43, $0x13  }
0x183: {  	v51 =	vmul.u32 $0x1400, v51;
	[tilespmem:v50+s11+$0x0] =	vst.idx.add.f32.msk vm2, v56;
	vm2 =	vle.f32 v54, v33;
	v63 =	vmul.u32 $0xFFFF3800, v43  }
0x184: {  	v57 =	vld [tilespmem:s17+$0xFFFFFFF0];
	v49 =	vmul.u32 $0xCCCD, v47;
	v62 =	vmul.u32 $0xCCCD, v55;
	v47 =	vmul.u32 $0x1400, v47  }
0x185: {  	v36 =	vld [tilespmem:s5+$0x0];
	v55 =	vmul.u32 $0x1400, v55;
	v40 =	vshrl.u32 v60, $0x13;
	v38 =	vadd.s32 v63, v38  }
0x186: {  	v60 =	vmul.u32 $0xFFFF3800, v39;
	v42 =	vshrl.u32 v49, $0x13;
	v49 =	vld [tilespmem:s30+$0x20];
	v61 =	vadd.s32 $0x1400, v38  }
0x187: {  	v41 =	vshrl.u32 v62, $0x13;
	v59 =	vmul.u32 $0xFFFF3800, v42;
	v38 =	vld [tilespmem:s17+$0x0];
	v63 =	vsel vm3, $0x0, v61  }
0x188: {  	v62 =	vmul.u32 $0xFFFF3800, v41;
	vm3 =	vle.f32 v46, v33;
	v46 =	vld [tilespmem:s30+$0xFFFFFFF0];
	v58 =	vadd.s32 v43, v63  }
0x189: {  	v45 =	vadd.s32 v60, v45;
	v47 =	vadd.s32 v59, v47;
	v61 =	vmul.u32 $0xFFFF3800, v40;
	v43 =	vld [tilespmem:s5+$0x10]  }
0x18a: {  	v48 =	vadd.s32 v62, v55;
	v60 =	vadd.s32 $0x1400, v47;
	v47 =	vld [tilespmem:s30+$0x0];
	vm3 =	vmand vm3, vm15  }
0x18b: {  	[tilespmem:v53+s11+$0x0] =	vst.idx.add.f32.msk vm1, v52;
	v63 =	vadd.s32 $0x1400, v48;
	v51 =	vadd.s32 v61, v51;
	v61 =	vadd.s32 $0x1400, v45  }
0x18c: {  	v45 =	vld [tilespmem:s30+$0x10];
	v50 =	vsel vm6, $0x0, v63;
	v62 =	vadd.s32 $0x1400, v51;
	v51 =	vsel vm7, $0x0, v60  }
0x18d: {  	s9 =	simm.s32 $0x5;
	s10 =	simm.s32 $0x20C0;
	v48 =	vsel vm5, $0x0, v62;
	[tilespmem:v58+s11+$0x0] =	vst.idx.add.f32.msk vm8, v49;
	v49 =	vsel vm4, $0x0, v61;
	vm4 =	vlt.f32 v33, v57  }
.LBB2_11:
0x18e: {  	v52 =	vld [tilespmem:s10+$0x20];
	s9 =	sadd.s32 $0x5, s9;
	vm1 =	vle.f32 v36, v33;
	vm5 =	vlt.f32 v33, v38;
	vm6 =	vle.f32 v43, v33;
	v53 =	vmovc v46  }
0x18f: {  	v38 =	vadd.s32 v42, v51;
	v54 =	vadd.s32 v39, v49;
	vm7 =	vlt.f32 v33, v44;
	v36 =	vld [tilespmem:s10+$0xFFFFFFF0];
	p0 =	slt.u32 s9, $0xF5;
	v55 =	vmovc v47  }
0x190: {  	vm2 =	vmand vm2, vm4;
	v56 =	vadd.s32 v40, v48;
	v40 =	vadd.s32 v41, v50;
	v39 =	vld [tilespmem:s10+$0x0]  }
0x191: {  	vm1 =	vmand vm1, vm5;
	vm4 =	vmand vm6, vm7;
	v41 =	vld [tilespmem:s10+$0x10]  }
0x192: {  	v42 =	vld [tilespmem:s10+$0xFFFFFFE0]  }
0x193: {  	vm8 =	vlt.s32 v52, $0xC350;
	v43 =	vadd.s32 $0xFFFF3CB0, v52;
	[tilespmem:v34+s11+$0x0] =	vst.idx.add.f32.msk vm0, v35;
	v34 =	vmovc v40;
	v35 =	vmovc v45;
	vm0 =	vmmov vm4  }
0x194: {  	s5 =	sadd.s32 $0x50, s5;
	vm4 =	vlt.s32 v36, $0xC350;
	v40 =	vadd.s32 $0xFFFF3CB0, v36;
	v43 =	vsel vm8, v52, v43;
	[tilespmem:v38+s11+$0x0] =	vst.idx.add.f32.msk vm3, v37  }
0x195: {  	s17 =	sadd.s32 $0x50, s17;
	vm5 =	vlt.s32 v39, $0xC350;
	v37 =	vadd.s32 $0xFFFF3CB0, v39;
	v38 =	vld [tilespmem:s5+$0x20];
	v44 =	vmul.u32 $0xCCCD, v43  }
0x196: {  	v45 =	vsel vm4, v36, v40;
	vm6 =	vlt.s32 v41, $0xC350;
	v36 =	vadd.s32 $0xFFFF3CB0, v41;
	v40 =	vld [tilespmem:s17+$0x20]  }
0x197: {  	v46 =	vld [tilespmem:s5+$0xFFFFFFE0];
	vm7 =	vlt.s32 v42, $0xC350;
	v47 =	vadd.s32 $0xFFFF3CB0, v42;
	v44 =	vshrl.u32 v44, $0x13  }
0x198: {  	v48 =	vld [tilespmem:s17+$0xFFFFFFE0];
	v47 =	vsel vm7, v42, v47;
	v42 =	vmul.u32 $0x1400, v43;
	v43 =	vmul.u32 $0xFFFF3800, v44  }
0x199: {  	v51 =	vsel vm5, v39, v37;
	v52 =	vsel vm6, v41, v36;
	v49 =	vmul.u32 $0xCCCD, v47;
	v50 =	vld [tilespmem:s5+$0xFFFFFFF0]  }
0x19a: {  	v37 =	vmul.u32 $0xCCCD, v45;
	v41 =	vmul.u32 $0xCCCD, v51;
	v57 =	vld [tilespmem:s17+$0xFFFFFFF0];
	v39 =	vadd.s32 v43, v42  }
0x19b: {  	vm3 =	vle.f32 v38, v33;
	v36 =	vld [tilespmem:s5+$0x0];
	vm9 =	vlt.f32 v33, v40;
	v39 =	vadd.s32 $0x1400, v39  }
0x19c: {  	s30 =	sadd.s32 $0x50, s30;
	v58 =	vmul.u32 $0xCCCD, v52;
	v38 =	vld [tilespmem:s17+$0x0];
	vm9 =	vmand vm3, vm9;
	v40 =	vsel vm8, $0x0, v39  }
0x19d: {  	v42 =	vshrl.u32 v49, $0x13;
	v39 =	vshrl.u32 v37, $0x13;
	v49 =	vld [tilespmem:s30+$0x20];
	v59 =	vadd.s32 v44, v40  }
0x19e: {  	v60 =	vmul.u32 $0xFFFF3800, v42;
	v40 =	vshrl.u32 v41, $0x13;
	v41 =	vshrl.u32 v58, $0x13;
	v43 =	vld [tilespmem:s5+$0x10]  }
0x19f: {  	v58 =	vmul.u32 $0xFFFF3800, v39;
	v61 =	vmul.u32 $0xFFFF3800, v40;
	v62 =	vmul.u32 $0xFFFF3800, v41;
	v44 =	vld [tilespmem:s17+$0x10]  }
0x1a0: {  	v45 =	vmul.u32 $0x1400, v45;
	v51 =	vmul.u32 $0x1400, v51;
	v47 =	vmul.u32 $0x1400, v47;
	v37 =	vld [tilespmem:s30+$0xFFFFFFE0]  }
0x1a1: {  	vm3 =	vle.f32 v46, v33;
	vm8 =	vlt.f32 v33, v48;
	v48 =	vmul.u32 $0x1400, v52;
	v46 =	vld [tilespmem:s30+$0xFFFFFFF0]  }
.Ltmp4:
0x1a2: {  	vm3 =	vmand vm3, vm8;
	v47 =	vadd.s32 v60, v47;
	v45 =	vadd.s32 v58, v45;
	[tilespmem:v59+s11+$0x0] =	vst.idx.add.f32.msk vm9, v49;
	(pc) =	sbr.rel @p0 .LBB2_11-.Ltmp4, $4  }
0x1a3: {  	v51 =	vadd.s32 v61, v51;
	v48 =	vadd.s32 v62, v48;
	v49 =	vadd.s32 $0x1400, v47;
	v47 =	vld [tilespmem:s30+$0x0]  }
0x1a4: {  	v52 =	vadd.s32 $0x1400, v45;
	v58 =	vadd.s32 $0x1400, v51;
	v59 =	vadd.s32 $0x1400, v48;
	v45 =	vld [tilespmem:s30+$0x10]  }
0x1a5: {  	v48 =	vsel vm5, $0x0, v58;
	v51 =	vsel vm7, $0x0, v49;
	v49 =	vsel vm4, $0x0, v52;
	[tilespmem:v54+s11+$0x0] =	vst.idx.add.f32.msk vm2, v53  }
0x1a6: {  	s10 =	sadd.s32 $0x50, s10;
	vm4 =	vlt.f32 v33, v57;
	vm2 =	vle.f32 v50, v33;
	v50 =	vsel vm6, $0x0, v59;
	[tilespmem:v56+s11+$0x0] =	vst.idx.add.f32.msk vm1, v55  }
0x1a7: {  	vm1 =	vle.f32 v36, v33;
	vm5 =	vlt.f32 v33, v38;
	vm6 =	vle.f32 v43, v33  }
0x1a8: {  	v60 =	vadd.s32 v42, v51;
	vm7 =	vlt.f32 v33, v44;
	vm2 =	vmand vm2, vm4  }
0x1a9: {  	v61 =	vadd.s32 v39, v49;
	vm1 =	vmand vm1, vm5;
	vm15 =	vmand vm6, vm7  }
0x1aa: {  	v62 =	vadd.s32 v40, v48;
	s7 =	sadd.s32 $0x1, s7;
	vm4 =	vmmov vm15  }
0x1ab: {  	v63 =	vadd.s32 v41, v50;
	p0 =	sne.s32 s7, $0x8  }
.Ltmp5:
0x1ac: {  	[tilespmem:v34+s11+$0x0] =	vst.idx.add.f32.msk vm0, v35;
	(pc) =	sbr.rel @p0 .LBB2_6-.Ltmp5, $4  }
0x1ad: {  	[tilespmem:v60+s11+$0x0] =	vst.idx.add.f32.msk vm3, v37  }
0x1ae: {  	[tilespmem:v61+s11+$0x0] =	vst.idx.add.f32.msk vm2, v46  }
0x1af: {  	[tilespmem:v62+s11+$0x0] =	vst.idx.add.f32.msk vm1, v47  }
0x1b0: {  	[tilespmem:v63+s11+$0x0] =	vst.idx.add.f32.msk vm4, v45  }
0x1b1: {  	_ =	swait.ge [sflag:s4], $0xFA0  }
0x1b2: {  	[sflag:s4] =	ssyncset.done $0x0  }
0x1b3: {  	[sflag:s4] =	ssyncadd.s32 $0xFFFFF060  }
0x1b4: {  	_ =	swait.ge [sflag:s26], $0xFA0  }
0x1b5: {  	[sflag:s26] =	ssyncset.done $0x0  }
0x1b6: {  	[sflag:s26] =	ssyncadd.s32 $0xFFFFF060  }
0x1b7: {  	_ =	swait.ge [sflag:s28], $0xFA0  }
0x1b8: {  	[sflag:s28] =	ssyncset.done $0x0  }
0x1b9: {  	[sflag:s28] =	ssyncadd.s32 $0xFFFFF060  }
0x1ba: {  	_ =	swait.ge [sflag:s29], $0xFA0  }
0x1bb: {  	[sflag:s29] =	ssyncset.done $0x0  }
0x1bc: {  	s5 =	simm.s32 $0x20;
	[sflag:s29] =	ssyncadd.s32 $0xFFFFF060  }
0x1bd: {  	v34 =	vld [tilespmem:s5+$0x20]  }
0x1be: {  	v35 =	vld [tilespmem:s5+$0xFFFFFFF0]  }
0x1bf: {  	v36 =	vld [tilespmem:s5+$0x0]  }
0x1c0: {  	v37 =	vld [tilespmem:s5+$0x10]  }
0x1c1: {  	s30 =	simm.s32 $0x6020;
	v38 =	vld [tilespmem:s5+$0xFFFFFFE0]  }
0x1c2: {  	s7 =	simm.s32 $0x9020;
	v41 =	vld [tilespmem:s30+$0x20]  }
0x1c3: {  	v57 =	vld [tilespmem:s7+$0x20]  }
0x1c4: {  	vm4 =	vlt.s32 v34, $0xC350  }
0x1c5: {  	v39 =	vadd.s32 $0xFFFF3CB0, v34;
	vm0 =	vlt.s32 v35, $0xC350;
	v40 =	vadd.s32 $0xFFFF3CB0, v35  }
0x1c6: {  	vm1 =	vlt.s32 v36, $0xC350;
	v56 =	vadd.s32 $0xFFFF3CB0, v36;
	vm2 =	vlt.s32 v37, $0xC350  }
0x1c7: {  	v43 =	vadd.s32 $0xFFFF3CB0, v37;
	vm3 =	vlt.s32 v38, $0xC350;
	v44 =	vadd.s32 $0xFFFF3CB0, v38  }
0x1c8: {  	vm5 =	vle.f32 v41, v33;
	vm6 =	vlt.f32 v33, v57;
	v34 =	vsel vm4, v34, v39  }
0x1c9: {  	v58 =	vld [tilespmem:s30+$0xFFFFFFE0];
	v35 =	vsel vm0, v35, v40;
	v38 =	vsel vm3, v38, v44;
	v36 =	vsel vm1, v36, v56  }
0x1ca: {  	v60 =	vld [tilespmem:s7+$0xFFFFFFE0];
	v37 =	vsel vm2, v37, v43;
	vm6 =	vmand vm5, vm6;
	v42 =	vmul.u32 $0xCCCD, v34  }
0x1cb: {  	v48 =	vld [tilespmem:s30+$0xFFFFFFF0];
	v34 =	vmul.u32 $0x1400, v34;
	v46 =	vmul.u32 $0xCCCD, v38;
	v61 =	vmul.u32 $0xCCCD, v35  }
0x1cc: {  	v63 =	vld [tilespmem:s30+$0x0];
	v47 =	vmul.u32 $0xCCCD, v36;
	v62 =	vmul.u32 $0xCCCD, v37;
	v38 =	vmul.u32 $0x1400, v38  }
0x1cd: {  	s9 =	simm.s32 $0x3020;
	v49 =	vld [tilespmem:s7+$0x0];
	v35 =	vmul.u32 $0x1400, v35;
	v36 =	vmul.u32 $0x1400, v36;
	v37 =	vmul.u32 $0x1400, v37  }
0x1ce: {  	v50 =	vld [tilespmem:s9+$0x20];
	v42 =	vshrl.u32 v42, $0x13;
	v46 =	vshrl.u32 v46, $0x13;
	v43 =	vshrl.u32 v61, $0x13  }
0x1cf: {  	v53 =	vld [tilespmem:s30+$0x10];
	v47 =	vshrl.u32 v47, $0x13;
	v45 =	vmul.u32 $0xFFFF3800, v42;
	v59 =	vmul.u32 $0xFFFF3800, v46  }
0x1d0: {  	v55 =	vld [tilespmem:s7+$0x10];
	v41 =	vshrl.u32 v62, $0x13;
	v51 =	vmul.u32 $0xFFFF3800, v43;
	v52 =	vmul.u32 $0xFFFF3800, v47  }
0x1d1: {  	s31 =	simm.s32 $0x70;
	v40 =	vld [tilespmem:s7+$0xFFFFFFF0];
	v54 =	vmul.u32 $0xFFFF3800, v41;
	v34 =	vadd.s32 v45, v34;
	v38 =	vadd.s32 v59, v38  }
0x1d2: {  	v62 =	vld [tilespmem:s31+$0x20];
	v35 =	vadd.s32 v51, v35;
	v34 =	vadd.s32 $0x1400, v34;
	v38 =	vadd.s32 $0x1400, v38  }
0x1d3: {  	s7 =	simm.s32 $0x9070;
	v35 =	vadd.s32 $0x1400, v35;
	v61 =	vsel vm3, $0x0, v38;
	vm3 =	vle.f32 v63, v33;
	v63 =	vld [tilespmem:s31+$0xFFFFFFF0]  }
0x1d4: {  	v34 =	vsel vm4, $0x0, v34;
	v35 =	vsel vm0, $0x0, v35;
	vm0 =	vle.f32 v48, v33;
	v48 =	vld [tilespmem:s7+$0xFFFFFFE0]  }
0x1d5: {  	vm5 =	vlt.f32 v33, v60;
	v36 =	vadd.s32 v52, v36;
	v34 =	vadd.s32 v42, v34;
	v42 =	vld [tilespmem:s31+$0x0]  }
0x1d6: {  	v60 =	vadd.s32 v54, v37;
	v36 =	vadd.s32 $0x1400, v36;
	v37 =	vadd.s32 v46, v61;
	v61 =	vld [tilespmem:s7+$0x20]  }
0x1d7: {  	vm7 =	vlt.f32 v33, v55;
	vm4 =	vle.f32 v58, v33;
	v36 =	vsel vm1, $0x0, v36  }
0x1d8: {  	v55 =	vld [tilespmem:s31+$0xFFFFFFE0];
	vm1 =	vlt.f32 v33, v40;
	v57 =	vadd.s32 $0xFFFF3CB0, v62;
	vm5 =	vmand vm4, vm5  }
0x1d9: {  	v39 =	vld [tilespmem:s9+$0xFFFFFFE0];
	vm4 =	vlt.f32 v33, v49;
	v58 =	vadd.s32 $0xFFFF3CB0, v63;
	vm15 =	vlt.f32 v33, v48  }
0x1da: {  	[tilespmem:v34+s11+$0x0] =	vst.idx.add.f32.msk vm6, v50;
	v34 =	vadd.s32 $0x1400, v60;
	vm6 =	vle.f32 v53, v33;
	v50 =	vadd.s32 v43, v35  }
0x1db: {  	v56 =	vld [tilespmem:s9+$0xFFFFFFF0];
	v53 =	vadd.s32 v47, v36;
	v59 =	vadd.s32 $0xFFFF3CB0, v42;
	vm9 =	vlt.f32 v33, v61  }
0x1dc: {  	v44 =	vld [tilespmem:s7+$0x10];
	v34 =	vsel vm2, $0x0, v34;
	vm2 =	vmand vm0, vm1;
	vm1 =	vmand vm3, vm4  }
0x1dd: {  	v36 =	vld [tilespmem:s31+$0x10];
	vm0 =	vmand vm6, vm7;
	vm3 =	vlt.s32 v62, $0xC350;
	vm4 =	vlt.s32 v63, $0xC350  }
0x1de: {  	s5 =	simm.s32 $0x6070;
	[tilespmem:v37+s11+$0x0] =	vst.idx.add.f32.msk vm5, v39;
	vm5 =	vlt.s32 v42, $0xC350;
	vm7 =	vlt.s32 v55, $0xC350;
	v34 =	vadd.s32 v41, v34  }
0x1df: {  	v39 =	vld [tilespmem:s5+$0x20];
	vm0 =	vmmov vm0;
	v38 =	vsel vm3, v62, v57;
	v45 =	vsel vm4, v63, v58  }
0x1e0: {  	v52 =	vld [tilespmem:s9+$0x0];
	v62 =	vadd.s32 $0xFFFF3CB0, v55;
	v51 =	vsel vm5, v42, v59;
	v43 =	vmul.u32 $0xCCCD, v38  }
0x1e1: {  	v54 =	vld [tilespmem:s5+$0xFFFFFFF0];
	v47 =	vsel vm7, v55, v62;
	v38 =	vmul.u32 $0x1400, v38;
	v59 =	vmul.u32 $0xCCCD, v45  }
0x1e2: {  	v46 =	vld [tilespmem:s5+$0xFFFFFFE0];
	v49 =	vmul.u32 $0xCCCD, v47;
	v47 =	vmul.u32 $0x1400, v47;
	v43 =	vshrl.u32 v43, $0x13  }
0x1e3: {  	s17 =	simm.s32 $0x3070;
	v35 =	vld [tilespmem:s9+$0x10];
	vm6 =	vlt.s32 v36, $0xC350;
	v60 =	vadd.s32 $0xFFFF3CB0, v36;
	v63 =	vmul.u32 $0xFFFF3800, v43  }
0x1e4: {  	v37 =	vld [tilespmem:s17+$0xFFFFFFE0];
	v55 =	vsel vm6, v36, v60;
	v60 =	vmul.u32 $0xCCCD, v51;
	vm8 =	vle.f32 v39, v33  }
0x1e5: {  	v57 =	vld [tilespmem:s7+$0xFFFFFFF0];
	v42 =	vshrl.u32 v49, $0x13;
	v39 =	vshrl.u32 v59, $0x13;
	v51 =	vmul.u32 $0x1400, v51  }
0x1e6: {  	v36 =	vld [tilespmem:s5+$0x0];
	v62 =	vmul.u32 $0xCCCD, v55;
	vm8 =	vmand vm8, vm9;
	v59 =	vmul.u32 $0xFFFF3800, v42  }
0x1e7: {  	v55 =	vmul.u32 $0x1400, v55;
	[tilespmem:v50+s11+$0x0] =	vst.idx.add.f32.msk vm2, v56;
	vm2 =	vle.f32 v54, v33;
	v38 =	vadd.s32 v63, v38  }
0x1e8: {  	v49 =	vld [tilespmem:s17+$0x20];
	v40 =	vshrl.u32 v60, $0x13;
	v60 =	vmul.u32 $0xFFFF3800, v39;
	v61 =	vadd.s32 $0x1400, v38  }
0x1e9: {  	v38 =	vld [tilespmem:s7+$0x0];
	v41 =	vshrl.u32 v62, $0x13;
	v63 =	vsel vm3, $0x0, v61;
	v61 =	vmul.u32 $0xFFFF3800, v40  }
0x1ea: {  	v62 =	vmul.u32 $0xFFFF3800, v41;
	v58 =	vadd.s32 v43, v63;
	v43 =	vld [tilespmem:s5+$0x10];
	v63 =	vmul.u32 $0x1400, v45  }
0x1eb: {  	v47 =	vadd.s32 v59, v47;
	vm3 =	vle.f32 v46, v33;
	v45 =	vld [tilespmem:s17+$0xFFFFFFF0];
	v51 =	vadd.s32 v61, v51  }
0x1ec: {  	v55 =	vadd.s32 v62, v55;
	v59 =	vadd.s32 v60, v63;
	v60 =	vadd.s32 $0x1400, v47;
	v47 =	vld [tilespmem:s17+$0x0]  }
0x1ed: {  	[tilespmem:v53+s11+$0x0] =	vst.idx.add.f32.msk vm1, v52;
	vm3 =	vmand vm3, vm15;
	v63 =	vadd.s32 $0x1400, v51;
	v55 =	vadd.s32 $0x1400, v55  }
0x1ee: {  	v46 =	vld [tilespmem:s17+$0x10];
	v48 =	vadd.s32 $0x1400, v59;
	v51 =	vsel vm7, $0x0, v60;
	v50 =	vsel vm6, $0x0, v55  }
0x1ef: {  	s10 =	simm.s32 $0xC0;
	s9 =	simm.s32 $0x5;
	[tilespmem:v58+s11+$0x0] =	vst.idx.add.f32.msk vm8, v49;
	v49 =	vsel vm4, $0x0, v48;
	v48 =	vsel vm5, $0x0, v63;
	vm4 =	vlt.f32 v33, v57  }
.LBB2_14:
0x1f0: {  	v52 =	vld [tilespmem:s10+$0x20];
	s9 =	sadd.s32 $0x5, s9;
	vm1 =	vle.f32 v36, v33;
	vm5 =	vlt.f32 v33, v38;
	vm6 =	vle.f32 v43, v33;
	v53 =	vmovc v45  }
0x1f1: {  	v38 =	vadd.s32 v42, v51;
	v54 =	vadd.s32 v39, v49;
	vm7 =	vlt.f32 v33, v44;
	v36 =	vld [tilespmem:s10+$0xFFFFFFF0];
	p0 =	slt.u32 s9, $0xF5;
	v55 =	vmovc v47  }
0x1f2: {  	vm2 =	vmand vm2, vm4;
	v56 =	vadd.s32 v40, v48;
	v40 =	vadd.s32 v41, v50;
	v39 =	vld [tilespmem:s10+$0x0]  }
0x1f3: {  	vm1 =	vmand vm1, vm5;
	vm4 =	vmand vm6, vm7;
	v41 =	vld [tilespmem:s10+$0x10]  }
0x1f4: {  	v42 =	vld [tilespmem:s10+$0xFFFFFFE0]  }
0x1f5: {  	vm8 =	vlt.s32 v52, $0xC350;
	v43 =	vadd.s32 $0xFFFF3CB0, v52;
	[tilespmem:v34+s11+$0x0] =	vst.idx.add.f32.msk vm0, v35;
	v34 =	vmovc v40;
	v35 =	vmovc v46;
	vm0 =	vmmov vm4  }
0x1f6: {  	s5 =	sadd.s32 $0x50, s5;
	vm4 =	vlt.s32 v36, $0xC350;
	v40 =	vadd.s32 $0xFFFF3CB0, v36;
	v43 =	vsel vm8, v52, v43;
	[tilespmem:v38+s11+$0x0] =	vst.idx.add.f32.msk vm3, v37  }
0x1f7: {  	s7 =	sadd.s32 $0x50, s7;
	vm5 =	vlt.s32 v39, $0xC350;
	v37 =	vadd.s32 $0xFFFF3CB0, v39;
	v38 =	vld [tilespmem:s5+$0x20];
	v44 =	vmul.u32 $0xCCCD, v43  }
0x1f8: {  	v45 =	vsel vm4, v36, v40;
	vm6 =	vlt.s32 v41, $0xC350;
	v36 =	vadd.s32 $0xFFFF3CB0, v41;
	v40 =	vld [tilespmem:s7+$0x20]  }
0x1f9: {  	v46 =	vld [tilespmem:s5+$0xFFFFFFE0];
	vm7 =	vlt.s32 v42, $0xC350;
	v47 =	vadd.s32 $0xFFFF3CB0, v42;
	v44 =	vshrl.u32 v44, $0x13  }
0x1fa: {  	v48 =	vld [tilespmem:s7+$0xFFFFFFE0];
	v47 =	vsel vm7, v42, v47;
	v42 =	vmul.u32 $0x1400, v43;
	v43 =	vmul.u32 $0xFFFF3800, v44  }
0x1fb: {  	v51 =	vsel vm5, v39, v37;
	v52 =	vsel vm6, v41, v36;
	v49 =	vmul.u32 $0xCCCD, v47;
	v50 =	vld [tilespmem:s5+$0xFFFFFFF0]  }
0x1fc: {  	v37 =	vmul.u32 $0xCCCD, v45;
	v41 =	vmul.u32 $0xCCCD, v51;
	v57 =	vld [tilespmem:s7+$0xFFFFFFF0];
	v39 =	vadd.s32 v43, v42  }
0x1fd: {  	vm3 =	vle.f32 v38, v33;
	v36 =	vld [tilespmem:s5+$0x0];
	vm9 =	vlt.f32 v33, v40;
	v39 =	vadd.s32 $0x1400, v39  }
0x1fe: {  	s17 =	sadd.s32 $0x50, s17;
	v58 =	vmul.u32 $0xCCCD, v52;
	v38 =	vld [tilespmem:s7+$0x0];
	vm9 =	vmand vm3, vm9;
	v40 =	vsel vm8, $0x0, v39  }
0x1ff: {  	v42 =	vshrl.u32 v49, $0x13;
	v39 =	vshrl.u32 v37, $0x13;
	v49 =	vld [tilespmem:s17+$0x20];
	v59 =	vadd.s32 v44, v40  }
0x200: {  	v60 =	vmul.u32 $0xFFFF3800, v42;
	v40 =	vshrl.u32 v41, $0x13;
	v41 =	vshrl.u32 v58, $0x13;
	v43 =	vld [tilespmem:s5+$0x10]  }
0x201: {  	v58 =	vmul.u32 $0xFFFF3800, v39;
	v61 =	vmul.u32 $0xFFFF3800, v40;
	v62 =	vmul.u32 $0xFFFF3800, v41;
	v44 =	vld [tilespmem:s7+$0x10]  }
0x202: {  	v63 =	vmul.u32 $0x1400, v45;
	v51 =	vmul.u32 $0x1400, v51;
	v47 =	vmul.u32 $0x1400, v47;
	v37 =	vld [tilespmem:s17+$0xFFFFFFE0]  }
0x203: {  	vm3 =	vle.f32 v46, v33;
	v46 =	vmul.u32 $0x1400, v52;
	vm8 =	vlt.f32 v33, v48;
	v45 =	vld [tilespmem:s17+$0xFFFFFFF0]  }
.Ltmp6:
0x204: {  	vm3 =	vmand vm3, vm8;
	v47 =	vadd.s32 v60, v47;
	v48 =	vadd.s32 v58, v63;
	[tilespmem:v59+s11+$0x0] =	vst.idx.add.f32.msk vm9, v49;
	(pc) =	sbr.rel @p0 .LBB2_14-.Ltmp6, $4  }
0x205: {  	v51 =	vadd.s32 v61, v51;
	v52 =	vadd.s32 v62, v46;
	v49 =	vadd.s32 $0x1400, v47;
	v47 =	vld [tilespmem:s17+$0x0]  }
0x206: {  	v48 =	vadd.s32 $0x1400, v48;
	v58 =	vadd.s32 $0x1400, v51;
	v52 =	vadd.s32 $0x1400, v52;
	v46 =	vld [tilespmem:s17+$0x10]  }
0x207: {  	v51 =	vsel vm7, $0x0, v49;
	v49 =	vsel vm4, $0x0, v48;
	v48 =	vsel vm5, $0x0, v58;
	[tilespmem:v54+s11+$0x0] =	vst.idx.add.f32.msk vm2, v53  }
0x208: {  	s10 =	sadd.s32 $0x50, s10;
	vm4 =	vlt.f32 v33, v57;
	vm2 =	vle.f32 v50, v33;
	v50 =	vsel vm6, $0x0, v52;
	[tilespmem:v56+s11+$0x0] =	vst.idx.add.f32.msk vm1, v55  }
0x209: {  	vm1 =	vle.f32 v36, v33;
	vm5 =	vlt.f32 v33, v38;
	vm6 =	vle.f32 v43, v33  }
0x20a: {  	v60 =	vadd.s32 v42, v51;
	vm7 =	vlt.f32 v33, v44;
	vm2 =	vmand vm2, vm4  }
0x20b: {  	v61 =	vadd.s32 v39, v49;
	vm1 =	vmand vm1, vm5;
	vm15 =	vmand vm6, vm7  }
0x20c: {  	v62 =	vadd.s32 v40, v48;
	vm4 =	vmmov vm15  }
0x20d: {  	v63 =	vadd.s32 v41, v50  }
0x20e: {  	[tilespmem:v34+s11+$0x0] =	vst.idx.add.f32.msk vm0, v35  }
0x20f: {  	[tilespmem:v60+s11+$0x0] =	vst.idx.add.f32.msk vm3, v37  }
0x210: {  	[tilespmem:v61+s11+$0x0] =	vst.idx.add.f32.msk vm2, v45  }
0x211: {  	[tilespmem:v62+s11+$0x0] =	vst.idx.add.f32.msk vm1, v47  }
0x212: {  	[tilespmem:v63+s11+$0x0] =	vst.idx.add.f32.msk vm4, v46  }
0x213: {  	s7 =	simm.s32 $0x80;
	[bflag:$0x0] =	sbarrier.arrive $0xFFFF  }
0x214: {  	s9 =	simm.s32 $0x1C080;
	s10 =	simm.s32 $0xD;
	s5 =	rddreg [dreg:$0x6]  }
0x215: {  	[spmem:s5] =	stream.indirect.scatter.add.f32 [tilespmem:s11], [sflag:$0xD], $0x80, s9, s7, $0xb8;
	[tilespmem:$0x1E280] =	vst v63  }
0x216: {  	_ =	swait.ge [sflag:s10], $0x4000  }
0x217: {  	[sflag:s10] =	ssyncset.done $0x0  }
0x218: {  	s31 =	simm.s32 $0x1C100;
	s17 =	simm.s32 $0x10000;
	[sflag:s10] =	ssyncadd.s32 $0xFFFFC000  }
0x219: {  	[spmem:s5] =	stream.indirect.scatter.add.f32 [tilespmem:s17], [sflag:$0xD], $0x80, s31, s7, $0xb8;
	[tilespmem:$0x1E280] =	vst v63  }
0x21a: {  	_ =	swait.ge [sflag:s10], $0x4000  }
0x21b: {  	[sflag:s10] =	ssyncset.done $0x0  }
0x21c: {  	s30 =	simm.s32 $0x1C180;
	s31 =	simm.s32 $0x14000;
	[sflag:s10] =	ssyncadd.s32 $0xFFFFC000  }
0x21d: {  	[spmem:s5] =	stream.indirect.scatter.add.f32 [tilespmem:s31], [sflag:$0xD], $0x80, s30, s7, $0xb8;
	[tilespmem:$0x1E280] =	vst v63  }
0x21e: {  	_ =	swait.ge [sflag:s10], $0x4000  }
0x21f: {  	[sflag:s10] =	ssyncset.done $0x0  }
0x220: {  	s30 =	simm.s32 $0x1C200;
	s31 =	simm.s32 $0x18000;
	[sflag:s10] =	ssyncadd.s32 $0xFFFFC000  }
0x221: {  	[spmem:s5] =	stream.indirect.scatter.add.f32 [tilespmem:s31], [sflag:$0xD], $0x80, s30, s7, $0xb8;
	[tilespmem:$0x1E280] =	vst v63  }
0x222: {  	_ =	swait.ge [sflag:s10], $0x4000  }
0x223: {  	[sflag:s10] =	ssyncset.done $0x0  }
0x224: {  	[sflag:s10] =	ssyncadd.s32 $0xFFFFC000  }
0x225: {  	[bflag:$0x0] =	sbarrier.arrive $0xFFFF  }
0x226: {  	s17 =	simm.s32 $0x1C280;
	s9 =	rddreg [dreg:$0x10]  }
0x227: {  	[tilespmem:s17], [sflag:$0xD] =	stream.linear.gather [spmem:s9], $0x1000, $0x38;
	[tilespmem:$0x1E280] =	vst v63  }
0x228: {  	_ =	swait.ge [sflag:s10], $0x1000  }
0x229: {  	[sflag:s10] =	ssyncset.done $0x0  }
0x22a: {  	s7 =	rddreg [dreg:$0x11];
	[sflag:s10] =	ssyncadd.s32 $0xFFFFF000  }
0x22b: {  	[hbm4b:s7+s8] =	stream.linear.scatter [tilespmem:s17], [sflag:$0xD], $0x1000, $0x38;
	[tilespmem:$0x1E280] =	vst v63  }
0x22c: {  	_ =	swait.ge [sflag:s10], $0x1000  }
0x22d: {  	s30 =	rddreg [dreg:$0x13]  }
0x22e: {  	s31 =	rddreg [dreg:$0x12];
	s7 =	sadd.s32 $0x1, s30  }
0x22f: {  	p0 =	sne.s32 s7, s31  }
.Ltmp7:
0x230: {  	_ = 	snop;
	(pc) =	sbr.rel @p0 .LBB2_1-.Ltmp7, $3  }
0x231: {  	_ =	sdelay $0x1  }
0x232: {  	[sflag:s10] =	ssyncset.done $0x0  }
0x233: {  	[sflag:s10] =	ssyncadd.s32 $0xFFFFF000  }
0x234: {  	_ =	sfence.sel $0x180000  }
0x235: {  	[bflag:$0x0] =	sbarrier.arrive $0xFFFF  }
0x236: {  	_ =	strace $0x90000047  }
0x237: {  	s0 =	stileid.u32;
	[bflag:$0x2] =	sbarrier.arrive $0xFFFF  }
0x238: {  	p0 =	sne.s32 s0, $0x0;
	s0 =	rddreg [dreg:$0x7]  }
0x239: {  	s0 =	sadd.s32 @!p0 $0x100000, s0  }
0x23a: {  	[sflag:s0] =	ssyncadd.tile.s32 @!p0 $0x1;
	_ =	shalt  }
.Lfunc_end2:
_tile_overlayer_lowered:
.L_overlay_start_2:
0x23b: {  	(tag) =	ssettag $0x2  }
0x23c: {  	s0 =	rddreg [dreg:$0x0];
	s2 =	stileid.u32  }
0x23d: {  	s1 =	rddreg [dreg:$0x1];
	p0 =	sne.s32 s2, $0x0  }
0x23e: {  	s3 =	rddreg [dreg:$0x2];
	[bflag:$0x3] =	sbarrier.arrive $0xFFFF;
	s2 =	simm.s32 @!p0 $0x1C0D  }
0x23f: {  	[timem:s3], [sflag:s2] =	dma.local @!p0 [hbm:s0], s1  }
0x240: {  	s0 =	simm.s32 @!p0 $0xD  }
0x241: {  	_ =	swait.ge @!p0 [sflag:s0], s1  }
0x242: {  	s1 =	ssub.s32 @!p0 $0x0, s1;
	[sflag:s0] =	ssyncset.done @!p0 $0x0  }
0x243: {  	[sflag:s0] =	ssyncadd.s32 @!p0 s1  }
0x244: {  	[bflag:$0x3] =	sbarrier.arrive $0xFFFF  }
0x245: {  	_ =	shalt  }

</sc_bundles>
